<compile_context>
chip_gen: v7x
topology: tpu7x:2x2x1
jax: 0.10.2.dev20260603
libtpu: 0.0.44.dev20260713+nightly
codegen_flags: <defaults>
</compile_context>

<pallas_src>
import functools

import jax
import jax.numpy as jnp
from jax import lax
from jax.experimental import pallas as pl
from jax.experimental.pallas import tpu as pltpu
from jax.experimental.pallas import tpu_sc as plsc

N = 50000
D = 128
E = 200000
R = 3

NC = 2
NS = 16
LANES = 16

NCHUNK = 6
CH = 8448
NPAD = NCHUNK * CH
SENT = CH

EPAD = NS * 12544
TEDGE = EPAD // NS
SLAB = 3136
NSLAB = TEDGE // SLAB
GRP = SLAB // LANES

B = 64
DUMP = 12544 + B
RPT = CH // NS
WS = 48
NWS = RPT // WS

MB = 512


def _sc_body(x_hbm, src_hbm, dst_hbm, aout,
             accum_sh, deg_sh, dslab, sslab, srcc, dstc,
             src64, dst64, msg, ones64, wslab, zbuf, zbuf1d, degbuf, sem):
    cid = lax.axis_index("c")
    sid = lax.axis_index("s")

    def _zrow(i, _):
        for j in range(D // LANES):
            zbuf[i, pl.ds(j * LANES, LANES)] = jnp.zeros((LANES,), jnp.float32)
        return 0
    lax.fori_loop(0, WS, _zrow, 0)

    def _z1(i, _):
        zbuf1d[pl.ds(i * LANES, LANES)] = jnp.zeros((LANES,), jnp.float32)
        return 0
    lax.fori_loop(0, RPT // LANES, _z1, 0)

    for k in range(B // LANES):
        ones64[pl.ds(k * LANES, LANES)] = jnp.ones((LANES,), jnp.float32)

    rb = sid * RPT

    def _sweep(t, _):
        r = t // (NCHUNK // NC)
        chunk_local = t % (NCHUNK // NC)
        chunk = cid * (NCHUNK // NC) + chunk_local
        lo = chunk * CH

        def _zero(w, _):
            pltpu.sync_copy(zbuf, accum_sh.at[pl.ds(rb + w * WS, WS)])
            return 0
        lax.fori_loop(0, NWS, _zero, 0)
        pltpu.sync_copy(zbuf1d, deg_sh.at[pl.ds(rb, RPT)])
        plsc.subcore_barrier()

        def _slab(sl, off):
            base = r * EPAD + sid * TEDGE + sl * SLAB
            pltpu.sync_copy(dst_hbm.at[pl.ds(base, SLAB)], dslab)
            pltpu.sync_copy(src_hbm.at[pl.ds(base, SLAB)], sslab)

            def _grp(g, off):
                dv = dslab[pl.ds(g * LANES, LANES)]
                sv = sslab[pl.ds(g * LANES, LANES)]
                dl = dv - lo
                m = (dl >= 0) & (dl < CH)
                pc = plsc.cumsum(jnp.where(m, jnp.int32(1), jnp.int32(0)))
                idx = jnp.where(m, pc - 1 + off, DUMP)
                plsc.store_scatter(dstc, [idx], dl)
                plsc.store_scatter(srcc, [idx], sv)
                return off + plsc.all_reduce_population_count(m)[0]
            return lax.fori_loop(0, GRP, _grp, off)
        off = lax.fori_loop(0, NSLAB, _slab, jnp.int32(0))

        for k in range(B // LANES):
            dstc[pl.ds(off + k * LANES, LANES)] = jnp.full(
                (LANES,), SENT, jnp.int32)
            srcc[pl.ds(off + k * LANES, LANES)] = jnp.zeros(
                (LANES,), jnp.int32)

        nb = (off + B - 1) // B

        def _batch(b, _):
            o = b * B
            for k in range(B // LANES):
                src64[pl.ds(k * LANES, LANES)] = srcc[
                    pl.ds(o + k * LANES, LANES)]
                dst64[pl.ds(k * LANES, LANES)] = dstc[
                    pl.ds(o + k * LANES, LANES)]
            pltpu.async_copy(x_hbm.at[src64], msg, sem).wait()
            pltpu.sync_copy(msg, accum_sh.at[dst64], add=True)
            pltpu.sync_copy(ones64, deg_sh.at[dst64], add=True)
            return 0
        lax.fori_loop(0, nb, _batch, 0)
        plsc.subcore_barrier()

        pltpu.sync_copy(deg_sh.at[pl.ds(rb, RPT)], degbuf.at[pl.ds(0, RPT)])

        def _inv(i, _):
            v = degbuf[pl.ds(i * LANES, LANES)]
            degbuf[pl.ds(i * LANES, LANES)] = 1.0 / jnp.maximum(v, 1.0)
            return 0
        lax.fori_loop(0, RPT // LANES, _inv, 0)

        grow = r * NPAD + lo + rb

        def _wout(w, _):
            pltpu.sync_copy(accum_sh.at[pl.ds(rb + w * WS, WS)], wslab)

            def _row(rr, _):
                s = degbuf[pl.ds(w * WS + rr, LANES)][0]
                svv = jnp.full((LANES,), s)
                for j in range(D // LANES):
                    tv = wslab[rr, pl.ds(j * LANES, LANES)]
                    wslab[rr, pl.ds(j * LANES, LANES)] = tv * svv
                return 0
            lax.fori_loop(0, WS, _row, 0)
            pltpu.sync_copy(wslab, aout.at[pl.ds(grow + w * WS, WS)])
            return 0
        lax.fori_loop(0, NWS, _wout, 0)
        plsc.subcore_barrier()
        return 0

    lax.fori_loop(0, R * (NCHUNK // NC), _sweep, 0)


@functools.partial(
    pl.kernel,
    out_type=jax.ShapeDtypeStruct((R * NPAD, D), jnp.float32),
    mesh=plsc.VectorSubcoreMesh(
        core_axis_name="c", subcore_axis_name="s",
        num_cores=NC, num_subcores=NS),
    scratch_types=[
        pltpu.VMEM_SHARED((CH + 8, D), jnp.float32),
        pltpu.VMEM_SHARED((CH + 8,), jnp.float32),
        pltpu.VMEM((SLAB,), jnp.int32),
        pltpu.VMEM((SLAB,), jnp.int32),
        pltpu.VMEM((TEDGE + B + 8,), jnp.int32),
        pltpu.VMEM((TEDGE + B + 8,), jnp.int32),
        pltpu.VMEM((B,), jnp.int32),
        pltpu.VMEM((B,), jnp.int32),
        pltpu.VMEM((B, D), jnp.float32),
        pltpu.VMEM((B,), jnp.float32),
        pltpu.VMEM((WS, D), jnp.float32),
        pltpu.VMEM((WS, D), jnp.float32),
        pltpu.VMEM((RPT,), jnp.float32),
        pltpu.VMEM((RPT + LANES,), jnp.float32),
        pltpu.SemaphoreType.DMA,
    ],
    compiler_params=pltpu.CompilerParams(needs_layout_passes=False),
)
def _sc_agg(*args):
    _sc_body(*args)


def _combine_body(w0, w1, w2, lw, a0, a1, a2, x, o):
    acc = jnp.dot(a0[...], w0[...], preferred_element_type=jnp.float32)
    acc = acc + jnp.dot(a1[...], w1[...], preferred_element_type=jnp.float32)
    acc = acc + jnp.dot(a2[...], w2[...], preferred_element_type=jnp.float32)
    acc = acc + jnp.dot(x[...], lw[...], preferred_element_type=jnp.float32)
    o[...] = acc


def _combine(w0, w1, w2, lw, a0, a1, a2, x):
    nblk = NPAD // MB
    wspec = pl.BlockSpec((D, D), lambda i: (0, 0))
    aspec = pl.BlockSpec((MB, D), lambda i: (i, 0))
    return pl.pallas_call(
        _combine_body,
        grid=(nblk,),
        in_specs=[wspec, wspec, wspec, wspec, aspec, aspec, aspec, aspec],
        out_specs=aspec,
        out_shape=jax.ShapeDtypeStruct((NPAD, D), jnp.float32),
    )(w0, w1, w2, lw, a0, a1, a2, x)


def kernel(x, edge_index_r0, edge_index_r1, edge_index_r2, weight, loop_weight):
    zpad = jnp.zeros((EPAD - E,), jnp.int32)
    dpad = jnp.full((EPAD - E,), 1 << 30, jnp.int32)
    srcs, dsts = [], []
    for ei in (edge_index_r0, edge_index_r1, edge_index_r2):
        srcs.extend([ei[0], zpad])
        dsts.extend([ei[1], dpad])
    aout = _sc_agg(x, jnp.concatenate(srcs), jnp.concatenate(dsts))
    a0 = aout[0 * NPAD:1 * NPAD]
    a1 = aout[1 * NPAD:2 * NPAD]
    a2 = aout[2 * NPAD:3 * NPAD]
    xp = jnp.pad(x, ((0, NPAD - N), (0, 0)))
    return _combine(weight[0], weight[1], weight[2], loop_weight,
                    a0, a1, a2, xp)[:N]

# --- scband reference (transcript-rebuilt; emitter-appended) ---
"""Pipeline reference for scband-rel-graph-conv-hetero-24739011625315 (READ-ONLY COPY).

The authoritative reference and input builder live on the scoring server;
editing this copy changes nothing except your own understanding.
"""

import jax, jax.numpy as jnp
import numpy as np

N = 50000
D = 128
E = 200000
R = 3


def setup_inputs(seed: int = 0) -> dict:
    key = jax.random.key(seed)
    ks = jax.random.split(key, 8)
    x = jax.random.normal(ks[0], (N, D), dtype=jnp.float32)
    edge_index_r0 = jax.random.randint(ks[1], (2, E), 0, N, dtype=jnp.int32)
    edge_index_r1 = jax.random.randint(ks[2], (2, E), 0, N, dtype=jnp.int32)
    edge_index_r2 = jax.random.randint(ks[3], (2, E), 0, N, dtype=jnp.int32)
    # xavier_uniform with gain = calculate_gain('relu') = sqrt(2)
    a = float(np.sqrt(2.0) * np.sqrt(6.0 / (D + D)))
    weight = jax.random.uniform(ks[4], (R, D, D), minval=-a, maxval=a, dtype=jnp.float32)
    loop_weight = jax.random.uniform(ks[5], (D, D), minval=-a, maxval=a, dtype=jnp.float32)
    return {
        "x": x,
        "edge_index_r0": edge_index_r0,
        "edge_index_r1": edge_index_r1,
        "edge_index_r2": edge_index_r2,
        "weight": weight,
        "loop_weight": loop_weight,
    }


def reference(x, edge_index_r0, edge_index_r1, edge_index_r2, weight, loop_weight):
    # RelGraphConvHetero with a single node type and 3 relations.
    # Each relation is a DGL GraphConv(norm='right', weight=False, bias=False)
    # with an external per-relation weight supplied via mod_kwargs.
    # norm='right': aggregated message divided by dst in-degree (clamped to >= 1).
    # HeteroGraphConv aggregates across relations with sum.
    def rel_conv(edge_index, w):
        src = edge_index[0]
        dst = edge_index[1]
        msg = jnp.take(x, src, axis=0)                      # gather [E, D]
        agg = jax.ops.segment_sum(msg, dst, num_segments=N)  # scatter-add [N, D]
        deg = jax.ops.segment_sum(jnp.ones((edge_index.shape[1],), x.dtype), dst, num_segments=N)
        agg = agg / jnp.clip(deg, 1.0)[:, None]
        return agg @ w                                       # in_dim == out_dim -> weight applied after aggregation

    h = rel_conv(edge_index_r0, weight[0])
    h = h + rel_conv(edge_index_r1, weight[1])
    h = h + rel_conv(edge_index_r2, weight[2])
    # self-loop
    h = h + x @ loop_weight
    # activation is None; dropout p=0.0 is identity
    return h

if __name__ == "__main__":
    import jax
    _d = setup_inputs()
    print(jax.jit(kernel)(*tuple(_d.values())))

</pallas_src>

<mosaic_0001>
#map = affine_map<(d0, d1) -> (0, 0)>
#map1 = affine_map<(d0, d1) -> (0)>
module attributes {stable_mosaic.version = 14 : i64} {
  func.func @_sc_agg(%arg0: i32, %arg1: i32, %arg2: memref<50000x128xf32, #tpu.memory_space<hbm>>, %arg3: memref<602112xi32, #tpu.memory_space<hbm>>, %arg4: memref<602112xi32, #tpu.memory_space<hbm>>, %arg5: memref<152064x128xf32, #tpu.memory_space<hbm>>, %arg6: memref<8456x128xf32, #tpu.memory_space<vmem_shared>>, %arg7: memref<8456xf32, #tpu.memory_space<vmem_shared>>, %arg8: memref<3136xi32, #tpu.memory_space<vmem>>, %arg9: memref<3136xi32, #tpu.memory_space<vmem>>, %arg10: memref<12616xi32, #tpu.memory_space<vmem>>, %arg11: memref<12616xi32, #tpu.memory_space<vmem>>, %arg12: memref<64xi32, #tpu.memory_space<vmem>>, %arg13: memref<64xi32, #tpu.memory_space<vmem>>, %arg14: memref<64x128xf32, #tpu.memory_space<vmem>>, %arg15: memref<64xf32, #tpu.memory_space<vmem>>, %arg16: memref<48x128xf32, #tpu.memory_space<vmem>>, %arg17: memref<48x128xf32, #tpu.memory_space<vmem>>, %arg18: memref<528xf32, #tpu.memory_space<vmem>>, %arg19: memref<544xf32, #tpu.memory_space<vmem>>, %arg20: memref<!tpu.dma_semaphore, #tpu.memory_space<semaphore_mem>>) attributes {dimension_semantics = [#tpu.dimension_semantics<core_parallel>, #tpu.dimension_semantics<subcore_parallel>], iteration_bounds = array<i64: 2, 16>, scalar_prefetch = 0 : i64, scratch_operands = 15 : i64, tpu.core_type = #tpu.core_type<sc_vector_subcore>, window_params = [{transform_indices = #map}, {transform_indices = #map1}, {transform_indices = #map1}, {transform_indices = #map}]} {
    %scan3A = arith.constant 0 : i32
    %scan3A_0 = arith.constant 0 : i32
    %scan3A_1 = arith.constant 48 : i32
    %scan3A_2 = arith.addi %scan3A_0, %scan3A_1 : i32
    %scan3A_3 = arith.constant 1 : i32
    %scan3A_4 = scf.for %scan3A_35 = %scan3A_0 to %scan3A_2 step %scan3A_3 iter_args(%scan3A_36 = %scan3A) -> (i32)  : i32 {
      %broadcast_in_dim3A_37 = arith.constant 0.000000e+00 : f32
      %broadcast_in_dim3A_38 = vector.broadcast %broadcast_in_dim3A_37 : f32 to vector<16xf32>
      %swap3A_39 = arith.index_cast %scan3A_35 : i32 to index
      %swap3A_40 = arith.constant 0 : index
      %swap3A_41 = tpu.vector_load %arg17[%swap3A_39, %swap3A_40] {strides = array<i32>} : memref<48x128xf32, #tpu.memory_space<vmem>>, vector<16xf32>,
      tpu.vector_store %arg17[%swap3A_39, %swap3A_40], %broadcast_in_dim3A_38 {strides = array<i32>} : memref<48x128xf32, #tpu.memory_space<vmem>>, vector<16xf32>,
      %broadcast_in_dim3A_42 = arith.constant 0.000000e+00 : f32
      %broadcast_in_dim3A_43 = vector.broadcast %broadcast_in_dim3A_42 : f32 to vector<16xf32>
      %swap3A_44 = arith.index_cast %scan3A_35 : i32 to index
      %swap3A_45 = arith.constant 16 : index
      %swap3A_46 = tpu.vector_load %arg17[%swap3A_44, %swap3A_45] {strides = array<i32>} : memref<48x128xf32, #tpu.memory_space<vmem>>, vector<16xf32>,
      tpu.vector_store %arg17[%swap3A_44, %swap3A_45], %broadcast_in_dim3A_43 {strides = array<i32>} : memref<48x128xf32, #tpu.memory_space<vmem>>, vector<16xf32>,
      %broadcast_in_dim3A_47 = arith.constant 0.000000e+00 : f32
      %broadcast_in_dim3A_48 = vector.broadcast %broadcast_in_dim3A_47 : f32 to vector<16xf32>
      %swap3A_49 = arith.index_cast %scan3A_35 : i32 to index
      %swap3A_50 = arith.constant 32 : index
      %swap3A_51 = tpu.vector_load %arg17[%swap3A_49, %swap3A_50] {strides = array<i32>} : memref<48x128xf32, #tpu.memory_space<vmem>>, vector<16xf32>,
      tpu.vector_store %arg17[%swap3A_49, %swap3A_50], %broadcast_in_dim3A_48 {strides = array<i32>} : memref<48x128xf32, #tpu.memory_space<vmem>>, vector<16xf32>,
      %broadcast_in_dim3A_52 = arith.constant 0.000000e+00 : f32
      %broadcast_in_dim3A_53 = vector.broadcast %broadcast_in_dim3A_52 : f32 to vector<16xf32>
      %swap3A_54 = arith.index_cast %scan3A_35 : i32 to index
      %swap3A_55 = arith.constant 48 : index
      %swap3A_56 = tpu.vector_load %arg17[%swap3A_54, %swap3A_55] {strides = array<i32>} : memref<48x128xf32, #tpu.memory_space<vmem>>, vector<16xf32>,
      tpu.vector_store %arg17[%swap3A_54, %swap3A_55], %broadcast_in_dim3A_53 {strides = array<i32>} : memref<48x128xf32, #tpu.memory_space<vmem>>, vector<16xf32>,
      %broadcast_in_dim3A_57 = arith.constant 0.000000e+00 : f32
      %broadcast_in_dim3A_58 = vector.broadcast %broadcast_in_dim3A_57 : f32 to vector<16xf32>
      %swap3A_59 = arith.index_cast %scan3A_35 : i32 to index
      %swap3A_60 = arith.constant 64 : index
      %swap3A_61 = tpu.vector_load %arg17[%swap3A_59, %swap3A_60] {strides = array<i32>} : memref<48x128xf32, #tpu.memory_space<vmem>>, vector<16xf32>,
      tpu.vector_store %arg17[%swap3A_59, %swap3A_60], %broadcast_in_dim3A_58 {strides = array<i32>} : memref<48x128xf32, #tpu.memory_space<vmem>>, vector<16xf32>,
      %broadcast_in_dim3A_62 = arith.constant 0.000000e+00 : f32
      %broadcast_in_dim3A_63 = vector.broadcast %broadcast_in_dim3A_62 : f32 to vector<16xf32>
      %swap3A_64 = arith.index_cast %scan3A_35 : i32 to index
      %swap3A_65 = arith.constant 80 : index
      %swap3A_66 = tpu.vector_load %arg17[%swap3A_64, %swap3A_65] {strides = array<i32>} : memref<48x128xf32, #tpu.memory_space<vmem>>, vector<16xf32>,
      tpu.vector_store %arg17[%swap3A_64, %swap3A_65], %broadcast_in_dim3A_63 {strides = array<i32>} : memref<48x128xf32, #tpu.memory_space<vmem>>, vector<16xf32>,
      %broadcast_in_dim3A_67 = arith.constant 0.000000e+00 : f32
      %broadcast_in_dim3A_68 = vector.broadcast %broadcast_in_dim3A_67 : f32 to vector<16xf32>
      %swap3A_69 = arith.index_cast %scan3A_35 : i32 to index
      %swap3A_70 = arith.constant 96 : index
      %swap3A_71 = tpu.vector_load %arg17[%swap3A_69, %swap3A_70] {strides = array<i32>} : memref<48x128xf32, #tpu.memory_space<vmem>>, vector<16xf32>,
      tpu.vector_store %arg17[%swap3A_69, %swap3A_70], %broadcast_in_dim3A_68 {strides = array<i32>} : memref<48x128xf32, #tpu.memory_space<vmem>>, vector<16xf32>,
      %broadcast_in_dim3A_72 = arith.constant 0.000000e+00 : f32
      %broadcast_in_dim3A_73 = vector.broadcast %broadcast_in_dim3A_72 : f32 to vector<16xf32>
      %swap3A_74 = arith.index_cast %scan3A_35 : i32 to index
      %swap3A_75 = arith.constant 112 : index
      %swap3A_76 = tpu.vector_load %arg17[%swap3A_74, %swap3A_75] {strides = array<i32>} : memref<48x128xf32, #tpu.memory_space<vmem>>, vector<16xf32>,
      tpu.vector_store %arg17[%swap3A_74, %swap3A_75], %broadcast_in_dim3A_73 {strides = array<i32>} : memref<48x128xf32, #tpu.memory_space<vmem>>, vector<16xf32>,
      %scan3A_77 = arith.constant 0 : i32
      scf.yield %scan3A_77 : i32
    }
    %scan3A_5 = arith.constant 48 : i32
    %scan3A_6 = arith.constant 0 : i32
    %scan3A_7 = arith.constant 0 : i32
    %scan3A_8 = arith.constant 33 : i32
    %scan3A_9 = arith.addi %scan3A_7, %scan3A_8 : i32
    %scan3A_10 = arith.constant 1 : i32
    %scan3A_11 = scf.for %scan3A_35 = %scan3A_7 to %scan3A_9 step %scan3A_10 iter_args(%scan3A_36 = %scan3A_6) -> (i32)  : i32 {
      %broadcast_in_dim3A_37 = arith.constant 0.000000e+00 : f32
      %broadcast_in_dim3A_38 = vector.broadcast %broadcast_in_dim3A_37 : f32 to vector<16xf32>
      %mul3A_39 = arith.constant 16 : i32
      %mul3A_40 = arith.muli %scan3A_35, %mul3A_39 : i32
      %swap3A_41 = arith.index_cast %mul3A_40 : i32 to index
      %swap3A_42 = tpu.vector_load %arg18[%swap3A_41] {strides = array<i32>} : memref<528xf32, #tpu.memory_space<vmem>>, vector<16xf32>,
      tpu.vector_store %arg18[%swap3A_41], %broadcast_in_dim3A_38 {strides = array<i32>} : memref<528xf32, #tpu.memory_space<vmem>>, vector<16xf32>,
      %scan3A_43 = arith.constant 0 : i32
      scf.yield %scan3A_43 : i32
    }
    %scan3A_12 = arith.constant 33 : i32
    %broadcast_in_dim3A = arith.constant 1.000000e+00 : f32
    %broadcast_in_dim3A_13 = vector.broadcast %broadcast_in_dim3A : f32 to vector<16xf32>
    %swap3A = arith.constant 0 : index
    %swap3A_14 = tpu.vector_load %arg15[%swap3A] {strides = array<i32>} : memref<64xf32, #tpu.memory_space<vmem>>, vector<16xf32>,
    tpu.vector_store %arg15[%swap3A], %broadcast_in_dim3A_13 {strides = array<i32>} : memref<64xf32, #tpu.memory_space<vmem>>, vector<16xf32>,
    %broadcast_in_dim3A_15 = arith.constant 1.000000e+00 : f32
    %broadcast_in_dim3A_16 = vector.broadcast %broadcast_in_dim3A_15 : f32 to vector<16xf32>
    %swap3A_17 = arith.constant 16 : index
    %swap3A_18 = tpu.vector_load %arg15[%swap3A_17] {strides = array<i32>} : memref<64xf32, #tpu.memory_space<vmem>>, vector<16xf32>,
    tpu.vector_store %arg15[%swap3A_17], %broadcast_in_dim3A_16 {strides = array<i32>} : memref<64xf32, #tpu.memory_space<vmem>>, vector<16xf32>,
    %broadcast_in_dim3A_19 = arith.constant 1.000000e+00 : f32
    %broadcast_in_dim3A_20 = vector.broadcast %broadcast_in_dim3A_19 : f32 to vector<16xf32>
    %swap3A_21 = arith.constant 32 : index
    %swap3A_22 = tpu.vector_load %arg15[%swap3A_21] {strides = array<i32>} : memref<64xf32, #tpu.memory_space<vmem>>, vector<16xf32>,
    tpu.vector_store %arg15[%swap3A_21], %broadcast_in_dim3A_20 {strides = array<i32>} : memref<64xf32, #tpu.memory_space<vmem>>, vector<16xf32>,
    %broadcast_in_dim3A_23 = arith.constant 1.000000e+00 : f32
    %broadcast_in_dim3A_24 = vector.broadcast %broadcast_in_dim3A_23 : f32 to vector<16xf32>
    %swap3A_25 = arith.constant 48 : index
    %swap3A_26 = tpu.vector_load %arg15[%swap3A_25] {strides = array<i32>} : memref<64xf32, #tpu.memory_space<vmem>>, vector<16xf32>,
    tpu.vector_store %arg15[%swap3A_25], %broadcast_in_dim3A_24 {strides = array<i32>} : memref<64xf32, #tpu.memory_space<vmem>>, vector<16xf32>,
    %mul3A = arith.constant 528 : i32
    %mul3A_27 = arith.muli %arg1, %mul3A : i32
    %scan3A_28 = arith.constant 0 : i32
    %scan3A_29 = arith.constant 0 : i32
    %scan3A_30 = arith.constant 9 : i32
    %scan3A_31 = arith.addi %scan3A_29, %scan3A_30 : i32
    %scan3A_32 = arith.constant 1 : i32
    %scan3A_33 = scf.for %scan3A_35 = %scan3A_29 to %scan3A_31 step %scan3A_32 iter_args(%scan3A_36 = %scan3A_28) -> (i32)  : i32 {
      %jit3A = arith.constant 3 : i32
      %div3A = arith.divsi %scan3A_35, %jit3A : i32
      %sign3A = arith.constant 0 : i32
      %sign3A_37 = arith.cmpi sgt, %scan3A_35, %sign3A : i32
      %sign3A_38 = arith.extui %sign3A_37 : i1 to i32
      %sign3A_39 = arith.constant 0 : i32
      %sign3A_40 = arith.cmpi slt, %scan3A_35, %sign3A_39 : i32
      %sign3A_41 = arith.extui %sign3A_40 : i1 to i32
      %sign3A_42 = arith.subi %sign3A_38, %sign3A_41 : i32
      %sign3A_43 = arith.constant 0 : i32
      %sign3A_44 = arith.cmpi sgt, %jit3A, %sign3A_43 : i32
      %sign3A_45 = arith.extui %sign3A_44 : i1 to i32
      %sign3A_46 = arith.constant 0 : i32
      %sign3A_47 = arith.cmpi slt, %jit3A, %sign3A_46 : i32
      %sign3A_48 = arith.extui %sign3A_47 : i1 to i32
      %sign3A_49 = arith.subi %sign3A_45, %sign3A_48 : i32
      %ne3A = arith.cmpi ne, %sign3A_42, %sign3A_49 : i32
      %rem3A = arith.remsi %scan3A_35, %jit3A : i32
      %ne3A_50 = arith.constant 0 : i32
      %ne3A_51 = arith.cmpi ne, %rem3A, %ne3A_50 : i32
      %and3A = arith.andi %ne3A, %ne3A_51 : i1
      %sub3A = arith.constant 1 : i32
      %sub3A_52 = arith.subi %div3A, %sub3A : i32
      %select_n3A = arith.select %and3A, %sub3A_52, %div3A : i32
      %jit3A_53 = arith.constant 3 : i32
      %eq3A = arith.constant 0 : i32
      %eq3A_54 = arith.cmpi eq, %jit3A_53, %eq3A : i32
      %jit3A_55 = arith.constant 1 : i32
      %select_n3A_56 = arith.select %eq3A_54, %jit3A_55, %jit3A_53 : i32
      %rem3A_57 = arith.remsi %scan3A_35, %select_n3A_56 : i32
      %ne3A_58 = arith.constant 0 : i32
      %ne3A_59 = arith.cmpi ne, %rem3A_57, %ne3A_58 : i32
      %lt3A = arith.constant 0 : i32
      %lt3A_60 = arith.cmpi slt, %rem3A_57, %lt3A : i32
      %lt3A_61 = arith.constant 0 : i32
      %lt3A_62 = arith.cmpi slt, %select_n3A_56, %lt3A_61 : i32
      %ne3A_63 = arith.xori %lt3A_60, %lt3A_62 : i1
      %and3A_64 = arith.andi %ne3A_63, %ne3A_59 : i1
      %add3A = arith.addi %rem3A_57, %select_n3A_56 : i32
      %select_n3A_65 = arith.select %and3A_64, %add3A, %rem3A_57 : i32
      %mul3A_66 = arith.constant 3 : i32
      %mul3A_67 = arith.muli %arg0, %mul3A_66 : i32
      %add3A_68 = arith.addi %mul3A_67, %select_n3A_65 : i32
      %mul3A_69 = arith.constant 8448 : i32
      %mul3A_70 = arith.muli %add3A_68, %mul3A_69 : i32
      %scan3A_71 = arith.constant 0 : i32
      %scan3A_72 = arith.constant 0 : i32
      %scan3A_73 = arith.constant 11 : i32
      %scan3A_74 = arith.addi %scan3A_72, %scan3A_73 : i32
      %scan3A_75 = arith.constant 1 : i32
      %scan3A_76 = scf.for %scan3A_193 = %scan3A_72 to %scan3A_74 step %scan3A_75 iter_args(%scan3A_194 = %scan3A_71) -> (i32)  : i32 {
        %mul3A_195 = arith.constant 48 : i32
        %mul3A_196 = arith.muli %scan3A_193, %mul3A_195 : i32
        %add3A_197 = arith.addi %mul3A_27, %mul3A_196 : i32
        "tpu.region"() ({
          %run_scoped3A = tpu.sem_alloc : memref<!tpu.dma_semaphore, #tpu.memory_space<semaphore_mem>>
          %dma_start3A = arith.constant 0 : i32
          %dma_start3A_199 = tpu.memref_slice %arg6[%add3A_197, %dma_start3A] : memref<8456x128xf32, #tpu.memory_space<vmem_shared>> -> memref<48x128xf32, #tpu.memory_space<vmem_shared>>
          %dma_start3A_200 = arith.constant 0 : i32
          %dma_start3A_201 = tpu.memref_slice %arg6[%add3A_197, %dma_start3A_200] : memref<8456x128xf32, #tpu.memory_space<vmem_shared>> -> memref<48x128xf32, #tpu.memory_space<vmem_shared>>
          tpu.enqueue_dma source(%arg17 : memref<48x128xf32, #tpu.memory_space<vmem>>) target(%dma_start3A_201 : memref<48x128xf32, #tpu.memory_space<vmem_shared>>) target_semaphore(%run_scoped3A : memref<!tpu.dma_semaphore, #tpu.memory_space<semaphore_mem>>)
          %dma_wait3A = arith.constant 0 : i32
          %dma_wait3A_202 = tpu.memref_slice %arg6[%add3A_197, %dma_wait3A] : memref<8456x128xf32, #tpu.memory_space<vmem_shared>> -> memref<48x128xf32, #tpu.memory_space<vmem_shared>>
          %dma_wait3A_203 = arith.constant 0 : i32
          %dma_wait3A_204 = tpu.memref_slice %arg6[%add3A_197, %dma_wait3A_203] : memref<8456x128xf32, #tpu.memory_space<vmem_shared>> -> memref<48x128xf32, #tpu.memory_space<vmem_shared>>
          tpu.wait_dma2 semaphore(%run_scoped3A : memref<!tpu.dma_semaphore, #tpu.memory_space<semaphore_mem>>) src(%arg17 : memref<48x128xf32, #tpu.memory_space<vmem>>) dst(%dma_wait3A_204 : memref<48x128xf32, #tpu.memory_space<vmem_shared>>)
          tpu.yield
        }) : () -> ()
        %scan3A_198 = arith.constant 0 : i32
        scf.yield %scan3A_198 : i32
      }
      %scan3A_77 = arith.constant 11 : i32
      "tpu.region"() ({
        %run_scoped3A = tpu.sem_alloc : memref<!tpu.dma_semaphore, #tpu.memory_space<semaphore_mem>>
        %dma_start3A = tpu.memref_slice %arg7[%mul3A_27] : memref<8456xf32, #tpu.memory_space<vmem_shared>> -> memref<528xf32, #tpu.memory_space<vmem_shared>>
        %dma_start3A_193 = tpu.memref_slice %arg7[%mul3A_27] : memref<8456xf32, #tpu.memory_space<vmem_shared>> -> memref<528xf32, #tpu.memory_space<vmem_shared>>
        tpu.enqueue_dma source(%arg18 : memref<528xf32, #tpu.memory_space<vmem>>) target(%dma_start3A_193 : memref<528xf32, #tpu.memory_space<vmem_shared>>) target_semaphore(%run_scoped3A : memref<!tpu.dma_semaphore, #tpu.memory_space<semaphore_mem>>)
        %dma_wait3A = tpu.memref_slice %arg7[%mul3A_27] : memref<8456xf32, #tpu.memory_space<vmem_shared>> -> memref<528xf32, #tpu.memory_space<vmem_shared>>
        %dma_wait3A_194 = tpu.memref_slice %arg7[%mul3A_27] : memref<8456xf32, #tpu.memory_space<vmem_shared>> -> memref<528xf32, #tpu.memory_space<vmem_shared>>
        tpu.wait_dma2 semaphore(%run_scoped3A : memref<!tpu.dma_semaphore, #tpu.memory_space<semaphore_mem>>) src(%arg18 : memref<528xf32, #tpu.memory_space<vmem>>) dst(%dma_wait3A_194 : memref<528xf32, #tpu.memory_space<vmem_shared>>)
        tpu.yield
      }) : () -> ()
      %barrier3A = arith.constant 0 : index
      tpu.barrier barrier_id(%barrier3A)
      %scan3A_78 = arith.constant 0 : i32
      %scan3A_79 = arith.constant 0 : i32
      %scan3A_80 = arith.constant 4 : i32
      %scan3A_81 = arith.addi %scan3A_79, %scan3A_80 : i32
      %scan3A_82 = arith.constant 1 : i32
      %scan3A_83 = scf.for %scan3A_193 = %scan3A_79 to %scan3A_81 step %scan3A_82 iter_args(%scan3A_194 = %scan3A_78) -> (i32)  : i32 {
        %mul3A_195 = arith.constant 200704 : i32
        %mul3A_196 = arith.muli %select_n3A, %mul3A_195 : i32
        %mul3A_197 = arith.constant 12544 : i32
        %mul3A_198 = arith.muli %arg1, %mul3A_197 : i32
        %add3A_199 = arith.addi %mul3A_196, %mul3A_198 : i32
        %mul3A_200 = arith.constant 3136 : i32
        %mul3A_201 = arith.muli %scan3A_193, %mul3A_200 : i32
        %add3A_202 = arith.addi %add3A_199, %mul3A_201 : i32
        "tpu.region"() ({
          %run_scoped3A = tpu.sem_alloc : memref<!tpu.dma_semaphore, #tpu.memory_space<semaphore_mem>>
          %dma_start3A = tpu.memref_slice %arg4[%add3A_202] : memref<602112xi32, #tpu.memory_space<hbm>> -> memref<3136xi32, #tpu.memory_space<hbm>>
          %dma_start3A_209 = tpu.memref_slice %arg4[%add3A_202] : memref<602112xi32, #tpu.memory_space<hbm>> -> memref<3136xi32, #tpu.memory_space<hbm>>
          tpu.enqueue_dma source(%dma_start3A_209 : memref<3136xi32, #tpu.memory_space<hbm>>) target(%arg8 : memref<3136xi32, #tpu.memory_space<vmem>>) target_semaphore(%run_scoped3A : memref<!tpu.dma_semaphore, #tpu.memory_space<semaphore_mem>>)
          %dma_wait3A = tpu.memref_slice %arg4[%add3A_202] : memref<602112xi32, #tpu.memory_space<hbm>> -> memref<3136xi32, #tpu.memory_space<hbm>>
          %dma_wait3A_210 = tpu.memref_slice %arg4[%add3A_202] : memref<602112xi32, #tpu.memory_space<hbm>> -> memref<3136xi32, #tpu.memory_space<hbm>>
          tpu.wait_dma2 semaphore(%run_scoped3A : memref<!tpu.dma_semaphore, #tpu.memory_space<semaphore_mem>>) src(%dma_wait3A_210 : memref<3136xi32, #tpu.memory_space<hbm>>) dst(%arg8 : memref<3136xi32, #tpu.memory_space<vmem>>)
          tpu.yield
        }) : () -> ()
        "tpu.region"() ({
          %run_scoped3A = tpu.sem_alloc : memref<!tpu.dma_semaphore, #tpu.memory_space<semaphore_mem>>
          %dma_start3A = tpu.memref_slice %arg3[%add3A_202] : memref<602112xi32, #tpu.memory_space<hbm>> -> memref<3136xi32, #tpu.memory_space<hbm>>
          %dma_start3A_209 = tpu.memref_slice %arg3[%add3A_202] : memref<602112xi32, #tpu.memory_space<hbm>> -> memref<3136xi32, #tpu.memory_space<hbm>>
          tpu.enqueue_dma source(%dma_start3A_209 : memref<3136xi32, #tpu.memory_space<hbm>>) target(%arg9 : memref<3136xi32, #tpu.memory_space<vmem>>) target_semaphore(%run_scoped3A : memref<!tpu.dma_semaphore, #tpu.memory_space<semaphore_mem>>)
          %dma_wait3A = tpu.memref_slice %arg3[%add3A_202] : memref<602112xi32, #tpu.memory_space<hbm>> -> memref<3136xi32, #tpu.memory_space<hbm>>
          %dma_wait3A_210 = tpu.memref_slice %arg3[%add3A_202] : memref<602112xi32, #tpu.memory_space<hbm>> -> memref<3136xi32, #tpu.memory_space<hbm>>
          tpu.wait_dma2 semaphore(%run_scoped3A : memref<!tpu.dma_semaphore, #tpu.memory_space<semaphore_mem>>) src(%dma_wait3A_210 : memref<3136xi32, #tpu.memory_space<hbm>>) dst(%arg9 : memref<3136xi32, #tpu.memory_space<vmem>>)
          tpu.yield
        }) : () -> ()
        %scan3A_203 = arith.constant 0 : i32
        %scan3A_204 = arith.constant 196 : i32
        %scan3A_205 = arith.addi %scan3A_203, %scan3A_204 : i32
        %scan3A_206 = arith.constant 1 : i32
        %scan3A_207 = scf.for %scan3A_209 = %scan3A_203 to %scan3A_205 step %scan3A_206 iter_args(%scan3A_210 = %scan3A_194) -> (i32)  : i32 {
          %mul3A_211 = arith.constant 16 : i32
          %mul3A_212 = arith.muli %scan3A_209, %mul3A_211 : i32
          %get3A = arith.index_cast %mul3A_212 : i32 to index
          %get3A_213 = tpu.vector_load %arg8[%get3A] {strides = array<i32>} : memref<3136xi32, #tpu.memory_space<vmem>>, vector<16xi32>,
          %mul3A_214 = arith.constant 16 : i32
          %mul3A_215 = arith.muli %scan3A_209, %mul3A_214 : i32
          %get3A_216 = arith.index_cast %mul3A_215 : i32 to index
          %get3A_217 = tpu.vector_load %arg9[%get3A_216] {strides = array<i32>} : memref<3136xi32, #tpu.memory_space<vmem>>, vector<16xi32>,
          %sub3A_218 = vector.broadcast %mul3A_70 : i32 to vector<16xi32>
          %sub3A_219 = arith.subi %get3A_213, %sub3A_218 : vector<16xi32>
          %ge3A = arith.constant 0 : i32
          %ge3A_220 = vector.broadcast %ge3A : i32 to vector<16xi32>
          %ge3A_221 = arith.cmpi sge, %sub3A_219, %ge3A_220 : vector<16xi32>
          %lt3A_222 = arith.constant 8448 : i32
          %lt3A_223 = vector.broadcast %lt3A_222 : i32 to vector<16xi32>
          %lt3A_224 = arith.cmpi slt, %sub3A_219, %lt3A_223 : vector<16xi32>
          %and3A_225 = arith.andi %ge3A_221, %lt3A_224 : vector<16xi1>
          %jit3A_226 = arith.constant 1 : i32
          %jit3A_227 = arith.constant 0 : i32
          %broadcast_in_dim3A_228 = vector.broadcast %jit3A_226 : i32 to vector<16xi32>
          %broadcast_in_dim3A_229 = vector.broadcast %jit3A_227 : i32 to vector<16xi32>
          %select_n3A_230 = arith.select %and3A_225, %broadcast_in_dim3A_228, %broadcast_in_dim3A_229 : vector<16xi1>, vector<16xi32>
          %broadcast_in_dim3A_231 = arith.constant true
          %broadcast_in_dim3A_232 = vector.broadcast %broadcast_in_dim3A_231 : i1 to vector<16xi1>
          %masked_cumsum3A = tpu.scan <sum>, %select_n3A_230 masked %broadcast_in_dim3A_232 : vector<16xi32>, vector<16xi1> -> vector<16xi32>
          %sub3A_233 = arith.constant 1 : i32
          %sub3A_234 = vector.broadcast %sub3A_233 : i32 to vector<16xi32>
          %sub3A_235 = arith.subi %masked_cumsum3A, %sub3A_234 : vector<16xi32>
          %add3A_236 = vector.broadcast %scan3A_210 : i32 to vector<16xi32>
          %add3A_237 = arith.addi %sub3A_235, %add3A_236 : vector<16xi32>
          %jit3A_238 = arith.constant 12608 : i32
          %broadcast_in_dim3A_239 = vector.broadcast %jit3A_238 : i32 to vector<16xi32>
          %select_n3A_240 = arith.select %and3A_225, %add3A_237, %broadcast_in_dim3A_239 : vector<16xi1>, vector<16xi32>
          tpu.vector_store_idx %arg11[%select_n3A_240], %sub3A_219 : memref<12616xi32, #tpu.memory_space<vmem>>[vector<16xi32>], vector<16xi32>,
          tpu.vector_store_idx %arg10[%select_n3A_240], %get3A_217 : memref<12616xi32, #tpu.memory_space<vmem>>[vector<16xi32>], vector<16xi32>,
          %all_reduce_population_count3A = tpu.all_reduce %and3A_225 {dim = 0 : i64, kind = #tpu.reduction_kind<sum>} : vector<16xi1> -> vector<16xi32>
          %slice3A = vector.extract_strided_slice %all_reduce_population_count3A {offsets = [0], sizes = [1], strides = [1]} : vector<16xi32> to vector<1xi32>
          %squeeze3A = vector.extract %slice3A[0] : i32 from vector<1xi32>
          %add3A_241 = arith.addi %scan3A_210, %squeeze3A : i32
          scf.yield %add3A_241 : i32
        }
        %scan3A_208 = arith.constant 196 : i32
        scf.yield %scan3A_207 : i32
      }
      %scan3A_84 = arith.constant 4 : i32
      %broadcast_in_dim3A_85 = arith.constant 8448 : i32
      %broadcast_in_dim3A_86 = vector.broadcast %broadcast_in_dim3A_85 : i32 to vector<16xi32>
      %add3A_87 = arith.constant 0 : i32
      %add3A_88 = arith.addi %scan3A_83, %add3A_87 : i32
      %swap3A_89 = arith.index_cast %add3A_88 : i32 to index
      %swap3A_90 = tpu.vector_load %arg11[%swap3A_89] {strides = array<i32>} : memref<12616xi32, #tpu.memory_space<vmem>>, vector<16xi32>,
      tpu.vector_store %arg11[%swap3A_89], %broadcast_in_dim3A_86 {strides = array<i32>} : memref<12616xi32, #tpu.memory_space<vmem>>, vector<16xi32>,
      %broadcast_in_dim3A_91 = arith.constant 0 : i32
      %broadcast_in_dim3A_92 = vector.broadcast %broadcast_in_dim3A_91 : i32 to vector<16xi32>
      %add3A_93 = arith.constant 0 : i32
      %add3A_94 = arith.addi %scan3A_83, %add3A_93 : i32
      %swap3A_95 = arith.index_cast %add3A_94 : i32 to index
      %swap3A_96 = tpu.vector_load %arg10[%swap3A_95] {strides = array<i32>} : memref<12616xi32, #tpu.memory_space<vmem>>, vector<16xi32>,
      tpu.vector_store %arg10[%swap3A_95], %broadcast_in_dim3A_92 {strides = array<i32>} : memref<12616xi32, #tpu.memory_space<vmem>>, vector<16xi32>,
      %broadcast_in_dim3A_97 = arith.constant 8448 : i32
      %broadcast_in_dim3A_98 = vector.broadcast %broadcast_in_dim3A_97 : i32 to vector<16xi32>
      %add3A_99 = arith.constant 16 : i32
      %add3A_100 = arith.addi %scan3A_83, %add3A_99 : i32
      %swap3A_101 = arith.index_cast %add3A_100 : i32 to index
      %swap3A_102 = tpu.vector_load %arg11[%swap3A_101] {strides = array<i32>} : memref<12616xi32, #tpu.memory_space<vmem>>, vector<16xi32>,
      tpu.vector_store %arg11[%swap3A_101], %broadcast_in_dim3A_98 {strides = array<i32>} : memref<12616xi32, #tpu.memory_space<vmem>>, vector<16xi32>,
      %broadcast_in_dim3A_103 = arith.constant 0 : i32
      %broadcast_in_dim3A_104 = vector.broadcast %broadcast_in_dim3A_103 : i32 to vector<16xi32>
      %add3A_105 = arith.constant 16 : i32
      %add3A_106 = arith.addi %scan3A_83, %add3A_105 : i32
      %swap3A_107 = arith.index_cast %add3A_106 : i32 to index
      %swap3A_108 = tpu.vector_load %arg10[%swap3A_107] {strides = array<i32>} : memref<12616xi32, #tpu.memory_space<vmem>>, vector<16xi32>,
      tpu.vector_store %arg10[%swap3A_107], %broadcast_in_dim3A_104 {strides = array<i32>} : memref<12616xi32, #tpu.memory_space<vmem>>, vector<16xi32>,
      %broadcast_in_dim3A_109 = arith.constant 8448 : i32
      %broadcast_in_dim3A_110 = vector.broadcast %broadcast_in_dim3A_109 : i32 to vector<16xi32>
      %add3A_111 = arith.constant 32 : i32
      %add3A_112 = arith.addi %scan3A_83, %add3A_111 : i32
      %swap3A_113 = arith.index_cast %add3A_112 : i32 to index
      %swap3A_114 = tpu.vector_load %arg11[%swap3A_113] {strides = array<i32>} : memref<12616xi32, #tpu.memory_space<vmem>>, vector<16xi32>,
      tpu.vector_store %arg11[%swap3A_113], %broadcast_in_dim3A_110 {strides = array<i32>} : memref<12616xi32, #tpu.memory_space<vmem>>, vector<16xi32>,
      %broadcast_in_dim3A_115 = arith.constant 0 : i32
      %broadcast_in_dim3A_116 = vector.broadcast %broadcast_in_dim3A_115 : i32 to vector<16xi32>
      %add3A_117 = arith.constant 32 : i32
      %add3A_118 = arith.addi %scan3A_83, %add3A_117 : i32
      %swap3A_119 = arith.index_cast %add3A_118 : i32 to index
      %swap3A_120 = tpu.vector_load %arg10[%swap3A_119] {strides = array<i32>} : memref<12616xi32, #tpu.memory_space<vmem>>, vector<16xi32>,
      tpu.vector_store %arg10[%swap3A_119], %broadcast_in_dim3A_116 {strides = array<i32>} : memref<12616xi32, #tpu.memory_space<vmem>>, vector<16xi32>,
      %broadcast_in_dim3A_121 = arith.constant 8448 : i32
      %broadcast_in_dim3A_122 = vector.broadcast %broadcast_in_dim3A_121 : i32 to vector<16xi32>
      %add3A_123 = arith.constant 48 : i32
      %add3A_124 = arith.addi %scan3A_83, %add3A_123 : i32
      %swap3A_125 = arith.index_cast %add3A_124 : i32 to index
      %swap3A_126 = tpu.vector_load %arg11[%swap3A_125] {strides = array<i32>} : memref<12616xi32, #tpu.memory_space<vmem>>, vector<16xi32>,
      tpu.vector_store %arg11[%swap3A_125], %broadcast_in_dim3A_122 {strides = array<i32>} : memref<12616xi32, #tpu.memory_space<vmem>>, vector<16xi32>,
      %broadcast_in_dim3A_127 = arith.constant 0 : i32
      %broadcast_in_dim3A_128 = vector.broadcast %broadcast_in_dim3A_127 : i32 to vector<16xi32>
      %add3A_129 = arith.constant 48 : i32
      %add3A_130 = arith.addi %scan3A_83, %add3A_129 : i32
      %swap3A_131 = arith.index_cast %add3A_130 : i32 to index
      %swap3A_132 = tpu.vector_load %arg10[%swap3A_131] {strides = array<i32>} : memref<12616xi32, #tpu.memory_space<vmem>>, vector<16xi32>,
      tpu.vector_store %arg10[%swap3A_131], %broadcast_in_dim3A_128 {strides = array<i32>} : memref<12616xi32, #tpu.memory_space<vmem>>, vector<16xi32>,
      %add3A_133 = arith.constant 64 : i32
      %add3A_134 = arith.addi %scan3A_83, %add3A_133 : i32
      %sub3A_135 = arith.constant 1 : i32
      %sub3A_136 = arith.subi %add3A_134, %sub3A_135 : i32
      %jit3A_137 = arith.constant 64 : i32
      %div3A_138 = arith.divsi %sub3A_136, %jit3A_137 : i32
      %sign3A_139 = arith.constant 0 : i32
      %sign3A_140 = arith.cmpi sgt, %sub3A_136, %sign3A_139 : i32
      %sign3A_141 = arith.extui %sign3A_140 : i1 to i32
      %sign3A_142 = arith.constant 0 : i32
      %sign3A_143 = arith.cmpi slt, %sub3A_136, %sign3A_142 : i32
      %sign3A_144 = arith.extui %sign3A_143 : i1 to i32
      %sign3A_145 = arith.subi %sign3A_141, %sign3A_144 : i32
      %sign3A_146 = arith.constant 0 : i32
      %sign3A_147 = arith.cmpi sgt, %jit3A_137, %sign3A_146 : i32
      %sign3A_148 = arith.extui %sign3A_147 : i1 to i32
      %sign3A_149 = arith.constant 0 : i32
      %sign3A_150 = arith.cmpi slt, %jit3A_137, %sign3A_149 : i32
      %sign3A_151 = arith.extui %sign3A_150 : i1 to i32
      %sign3A_152 = arith.subi %sign3A_148, %sign3A_151 : i32
      %ne3A_153 = arith.cmpi ne, %sign3A_145, %sign3A_152 : i32
      %rem3A_154 = arith.remsi %sub3A_136, %jit3A_137 : i32
      %ne3A_155 = arith.constant 0 : i32
      %ne3A_156 = arith.cmpi ne, %rem3A_154, %ne3A_155 : i32
      %and3A_157 = arith.andi %ne3A_153, %ne3A_156 : i1
      %sub3A_158 = arith.constant 1 : i32
      %sub3A_159 = arith.subi %div3A_138, %sub3A_158 : i32
      %select_n3A_160 = arith.select %and3A_157, %sub3A_159, %div3A_138 : i32
      %while3A = arith.constant 0 : i32
      %while3A_161 = arith.constant 0 : i32
      %while3A_162 = arith.subi %select_n3A_160, %while3A : i32
      %while3A_163 = arith.addi %while3A, %while3A_162 : i32
      %while3A_164 = arith.constant 1 : i32
      %while3A_165 = arith.divsi %while3A_162, %while3A_164 : i32
      %while3A_166 = arith.muli %while3A_165, %while3A_164 : i32
      %while3A_167 = arith.addi %while3A, %while3A_166 : i32
      %while3A_168 = arith.constant 1 : i32
      %while3A_169 = scf.for %while3A_193 = %while3A to %while3A_167 step %while3A_168 iter_args(%while3A_194 = %while3A_161) -> (i32)  : i32 {
        %mul3A_195 = arith.constant 64 : i32
        %mul3A_196 = arith.muli %while3A_193, %mul3A_195 : i32
        %add3A_197 = arith.constant 0 : i32
        %add3A_198 = arith.addi %mul3A_196, %add3A_197 : i32
        %get3A = arith.index_cast %add3A_198 : i32 to index
        %get3A_199 = tpu.vector_load %arg10[%get3A] {strides = array<i32>} : memref<12616xi32, #tpu.memory_space<vmem>>, vector<16xi32>,
        %swap3A_200 = arith.constant 0 : index
        %swap3A_201 = tpu.vector_load %arg12[%swap3A_200] {strides = array<i32>} : memref<64xi32, #tpu.memory_space<vmem>>, vector<16xi32>,
        tpu.vector_store %arg12[%swap3A_200], %get3A_199 {strides = array<i32>} : memref<64xi32, #tpu.memory_space<vmem>>, vector<16xi32>,
        %add3A_202 = arith.constant 0 : i32
        %add3A_203 = arith.addi %mul3A_196, %add3A_202 : i32
        %get3A_204 = arith.index_cast %add3A_203 : i32 to index
        %get3A_205 = tpu.vector_load %arg11[%get3A_204] {strides = array<i32>} : memref<12616xi32, #tpu.memory_space<vmem>>, vector<16xi32>,
        %swap3A_206 = arith.constant 0 : index
        %swap3A_207 = tpu.vector_load %arg13[%swap3A_206] {strides = array<i32>} : memref<64xi32, #tpu.memory_space<vmem>>, vector<16xi32>,
        tpu.vector_store %arg13[%swap3A_206], %get3A_205 {strides = array<i32>} : memref<64xi32, #tpu.memory_space<vmem>>, vector<16xi32>,
        %add3A_208 = arith.constant 16 : i32
        %add3A_209 = arith.addi %mul3A_196, %add3A_208 : i32
        %get3A_210 = arith.index_cast %add3A_209 : i32 to index
        %get3A_211 = tpu.vector_load %arg10[%get3A_210] {strides = array<i32>} : memref<12616xi32, #tpu.memory_space<vmem>>, vector<16xi32>,
        %swap3A_212 = arith.constant 16 : index
        %swap3A_213 = tpu.vector_load %arg12[%swap3A_212] {strides = array<i32>} : memref<64xi32, #tpu.memory_space<vmem>>, vector<16xi32>,
        tpu.vector_store %arg12[%swap3A_212], %get3A_211 {strides = array<i32>} : memref<64xi32, #tpu.memory_space<vmem>>, vector<16xi32>,
        %add3A_214 = arith.constant 16 : i32
        %add3A_215 = arith.addi %mul3A_196, %add3A_214 : i32
        %get3A_216 = arith.index_cast %add3A_215 : i32 to index
        %get3A_217 = tpu.vector_load %arg11[%get3A_216] {strides = array<i32>} : memref<12616xi32, #tpu.memory_space<vmem>>, vector<16xi32>,
        %swap3A_218 = arith.constant 16 : index
        %swap3A_219 = tpu.vector_load %arg13[%swap3A_218] {strides = array<i32>} : memref<64xi32, #tpu.memory_space<vmem>>, vector<16xi32>,
        tpu.vector_store %arg13[%swap3A_218], %get3A_217 {strides = array<i32>} : memref<64xi32, #tpu.memory_space<vmem>>, vector<16xi32>,
        %add3A_220 = arith.constant 32 : i32
        %add3A_221 = arith.addi %mul3A_196, %add3A_220 : i32
        %get3A_222 = arith.index_cast %add3A_221 : i32 to index
        %get3A_223 = tpu.vector_load %arg10[%get3A_222] {strides = array<i32>} : memref<12616xi32, #tpu.memory_space<vmem>>, vector<16xi32>,
        %swap3A_224 = arith.constant 32 : index
        %swap3A_225 = tpu.vector_load %arg12[%swap3A_224] {strides = array<i32>} : memref<64xi32, #tpu.memory_space<vmem>>, vector<16xi32>,
        tpu.vector_store %arg12[%swap3A_224], %get3A_223 {strides = array<i32>} : memref<64xi32, #tpu.memory_space<vmem>>, vector<16xi32>,
        %add3A_226 = arith.constant 32 : i32
        %add3A_227 = arith.addi %mul3A_196, %add3A_226 : i32
        %get3A_228 = arith.index_cast %add3A_227 : i32 to index
        %get3A_229 = tpu.vector_load %arg11[%get3A_228] {strides = array<i32>} : memref<12616xi32, #tpu.memory_space<vmem>>, vector<16xi32>,
        %swap3A_230 = arith.constant 32 : index
        %swap3A_231 = tpu.vector_load %arg13[%swap3A_230] {strides = array<i32>} : memref<64xi32, #tpu.memory_space<vmem>>, vector<16xi32>,
        tpu.vector_store %arg13[%swap3A_230], %get3A_229 {strides = array<i32>} : memref<64xi32, #tpu.memory_space<vmem>>, vector<16xi32>,
        %add3A_232 = arith.constant 48 : i32
        %add3A_233 = arith.addi %mul3A_196, %add3A_232 : i32
        %get3A_234 = arith.index_cast %add3A_233 : i32 to index
        %get3A_235 = tpu.vector_load %arg10[%get3A_234] {strides = array<i32>} : memref<12616xi32, #tpu.memory_space<vmem>>, vector<16xi32>,
        %swap3A_236 = arith.constant 48 : index
        %swap3A_237 = tpu.vector_load %arg12[%swap3A_236] {strides = array<i32>} : memref<64xi32, #tpu.memory_space<vmem>>, vector<16xi32>,
        tpu.vector_store %arg12[%swap3A_236], %get3A_235 {strides = array<i32>} : memref<64xi32, #tpu.memory_space<vmem>>, vector<16xi32>,
        %add3A_238 = arith.constant 48 : i32
        %add3A_239 = arith.addi %mul3A_196, %add3A_238 : i32
        %get3A_240 = arith.index_cast %add3A_239 : i32 to index
        %get3A_241 = tpu.vector_load %arg11[%get3A_240] {strides = array<i32>} : memref<12616xi32, #tpu.memory_space<vmem>>, vector<16xi32>,
        %swap3A_242 = arith.constant 48 : index
        %swap3A_243 = tpu.vector_load %arg13[%swap3A_242] {strides = array<i32>} : memref<64xi32, #tpu.memory_space<vmem>>, vector<16xi32>,
        tpu.vector_store %arg13[%swap3A_242], %get3A_241 {strides = array<i32>} : memref<64xi32, #tpu.memory_space<vmem>>, vector<16xi32>,
        %dma_start3A = arith.constant 0 : i32
        %dma_start3A_244 = arith.constant 0 : i32
        %dma_start3A_245 = tpu.memref_slice %arg2[%dma_start3A, %dma_start3A_244] : memref<50000x128xf32, #tpu.memory_space<hbm>> -> memref<50000x128xf32, #tpu.memory_space<hbm>>
        tpu.enqueue_indirect_dma source(%dma_start3A_245 : memref<50000x128xf32, #tpu.memory_space<hbm>>) target(%arg14 : memref<64x128xf32, #tpu.memory_space<vmem>>) offsets(%arg12 : memref<64xi32, #tpu.memory_space<vmem>>) semaphore(%arg20 : memref<!tpu.dma_semaphore, #tpu.memory_space<semaphore_mem>>)
        %dma_wait3A = arith.constant 0 : i32
        %dma_wait3A_246 = arith.constant 0 : i32
        %dma_wait3A_247 = tpu.memref_slice %arg2[%dma_wait3A, %dma_wait3A_246] : memref<50000x128xf32, #tpu.memory_space<hbm>> -> memref<50000x128xf32, #tpu.memory_space<hbm>>
        tpu.wait_indirect_dma semaphore(%arg20 : memref<!tpu.dma_semaphore, #tpu.memory_space<semaphore_mem>>) src(%dma_wait3A_247 : memref<50000x128xf32, #tpu.memory_space<hbm>>) dst(%arg14 : memref<64x128xf32, #tpu.memory_space<vmem>>)
        "tpu.region"() ({
          %run_scoped3A = tpu.sem_alloc : memref<!tpu.dma_semaphore, #tpu.memory_space<semaphore_mem>>
          %dma_start3A_249 = arith.constant 0 : i32
          %dma_start3A_250 = arith.constant 0 : i32
          %dma_start3A_251 = tpu.memref_slice %arg6[%dma_start3A_249, %dma_start3A_250] : memref<8456x128xf32, #tpu.memory_space<vmem_shared>> -> memref<8456x128xf32, #tpu.memory_space<vmem_shared>>
          tpu.enqueue_indirect_dma source(%arg14 : memref<64x128xf32, #tpu.memory_space<vmem>>) target(%dma_start3A_251 : memref<8456x128xf32, #tpu.memory_space<vmem_shared>>) offsets(%arg13 : memref<64xi32, #tpu.memory_space<vmem>>) semaphore(%run_scoped3A : memref<!tpu.dma_semaphore, #tpu.memory_space<semaphore_mem>>) {add = true}
          %dma_wait3A_252 = arith.constant 0 : i32
          %dma_wait3A_253 = arith.constant 0 : i32
          %dma_wait3A_254 = tpu.memref_slice %arg6[%dma_wait3A_252, %dma_wait3A_253] : memref<8456x128xf32, #tpu.memory_space<vmem_shared>> -> memref<8456x128xf32, #tpu.memory_space<vmem_shared>>
          tpu.wait_indirect_dma semaphore(%run_scoped3A : memref<!tpu.dma_semaphore, #tpu.memory_space<semaphore_mem>>) src(%arg14 : memref<64x128xf32, #tpu.memory_space<vmem>>) dst(%dma_wait3A_254 : memref<8456x128xf32, #tpu.memory_space<vmem_shared>>)
          tpu.yield
        }) : () -> ()
        "tpu.region"() ({
          %run_scoped3A = tpu.sem_alloc : memref<!tpu.dma_semaphore, #tpu.memory_space<semaphore_mem>>
          %dma_start3A_249 = arith.constant 0 : i32
          %dma_start3A_250 = tpu.memref_slice %arg7[%dma_start3A_249] : memref<8456xf32, #tpu.memory_space<vmem_shared>> -> memref<8456xf32, #tpu.memory_space<vmem_shared>>
          tpu.enqueue_indirect_dma source(%arg15 : memref<64xf32, #tpu.memory_space<vmem>>) target(%dma_start3A_250 : memref<8456xf32, #tpu.memory_space<vmem_shared>>) offsets(%arg13 : memref<64xi32, #tpu.memory_space<vmem>>) semaphore(%run_scoped3A : memref<!tpu.dma_semaphore, #tpu.memory_space<semaphore_mem>>) {add = true}
          %dma_wait3A_251 = arith.constant 0 : i32
          %dma_wait3A_252 = tpu.memref_slice %arg7[%dma_wait3A_251] : memref<8456xf32, #tpu.memory_space<vmem_shared>> -> memref<8456xf32, #tpu.memory_space<vmem_shared>>
          tpu.wait_indirect_dma semaphore(%run_scoped3A : memref<!tpu.dma_semaphore, #tpu.memory_space<semaphore_mem>>) src(%arg15 : memref<64xf32, #tpu.memory_space<vmem>>) dst(%dma_wait3A_252 : memref<8456xf32, #tpu.memory_space<vmem_shared>>)
          tpu.yield
        }) : () -> ()
        %while3A_248 = arith.constant 0 : i32
        scf.yield %while3A_248 : i32
      }
      %while3A_170 = arith.constant 1 : i32
      %while3A_171 = scf.for %while3A_193 = %while3A_167 to %while3A_163 step %while3A_170 iter_args(%while3A_194 = %while3A_169) -> (i32)  : i32 {
        %mul3A_195 = arith.constant 64 : i32
        %mul3A_196 = arith.muli %while3A_193, %mul3A_195 : i32
        %add3A_197 = arith.constant 0 : i32
        %add3A_198 = arith.addi %mul3A_196, %add3A_197 : i32
        %get3A = arith.index_cast %add3A_198 : i32 to index
        %get3A_199 = tpu.vector_load %arg10[%get3A] {strides = array<i32>} : memref<12616xi32, #tpu.memory_space<vmem>>, vector<16xi32>,
        %swap3A_200 = arith.constant 0 : index
        %swap3A_201 = tpu.vector_load %arg12[%swap3A_200] {strides = array<i32>} : memref<64xi32, #tpu.memory_space<vmem>>, vector<16xi32>,
        tpu.vector_store %arg12[%swap3A_200], %get3A_199 {strides = array<i32>} : memref<64xi32, #tpu.memory_space<vmem>>, vector<16xi32>,
        %add3A_202 = arith.constant 0 : i32
        %add3A_203 = arith.addi %mul3A_196, %add3A_202 : i32
        %get3A_204 = arith.index_cast %add3A_203 : i32 to index
        %get3A_205 = tpu.vector_load %arg11[%get3A_204] {strides = array<i32>} : memref<12616xi32, #tpu.memory_space<vmem>>, vector<16xi32>,
        %swap3A_206 = arith.constant 0 : index
        %swap3A_207 = tpu.vector_load %arg13[%swap3A_206] {strides = array<i32>} : memref<64xi32, #tpu.memory_space<vmem>>, vector<16xi32>,
        tpu.vector_store %arg13[%swap3A_206], %get3A_205 {strides = array<i32>} : memref<64xi32, #tpu.memory_space<vmem>>, vector<16xi32>,
        %add3A_208 = arith.constant 16 : i32
        %add3A_209 = arith.addi %mul3A_196, %add3A_208 : i32
        %get3A_210 = arith.index_cast %add3A_209 : i32 to index
        %get3A_211 = tpu.vector_load %arg10[%get3A_210] {strides = array<i32>} : memref<12616xi32, #tpu.memory_space<vmem>>, vector<16xi32>,
        %swap3A_212 = arith.constant 16 : index
        %swap3A_213 = tpu.vector_load %arg12[%swap3A_212] {strides = array<i32>} : memref<64xi32, #tpu.memory_space<vmem>>, vector<16xi32>,
        tpu.vector_store %arg12[%swap3A_212], %get3A_211 {strides = array<i32>} : memref<64xi32, #tpu.memory_space<vmem>>, vector<16xi32>,
        %add3A_214 = arith.constant 16 : i32
        %add3A_215 = arith.addi %mul3A_196, %add3A_214 : i32
        %get3A_216 = arith.index_cast %add3A_215 : i32 to index
        %get3A_217 = tpu.vector_load %arg11[%get3A_216] {strides = array<i32>} : memref<12616xi32, #tpu.memory_space<vmem>>, vector<16xi32>,
        %swap3A_218 = arith.constant 16 : index
        %swap3A_219 = tpu.vector_load %arg13[%swap3A_218] {strides = array<i32>} : memref<64xi32, #tpu.memory_space<vmem>>, vector<16xi32>,
        tpu.vector_store %arg13[%swap3A_218], %get3A_217 {strides = array<i32>} : memref<64xi32, #tpu.memory_space<vmem>>, vector<16xi32>,
        %add3A_220 = arith.constant 32 : i32
        %add3A_221 = arith.addi %mul3A_196, %add3A_220 : i32
        %get3A_222 = arith.index_cast %add3A_221 : i32 to index
        %get3A_223 = tpu.vector_load %arg10[%get3A_222] {strides = array<i32>} : memref<12616xi32, #tpu.memory_space<vmem>>, vector<16xi32>,
        %swap3A_224 = arith.constant 32 : index
        %swap3A_225 = tpu.vector_load %arg12[%swap3A_224] {strides = array<i32>} : memref<64xi32, #tpu.memory_space<vmem>>, vector<16xi32>,
        tpu.vector_store %arg12[%swap3A_224], %get3A_223 {strides = array<i32>} : memref<64xi32, #tpu.memory_space<vmem>>, vector<16xi32>,
        %add3A_226 = arith.constant 32 : i32
        %add3A_227 = arith.addi %mul3A_196, %add3A_226 : i32
        %get3A_228 = arith.index_cast %add3A_227 : i32 to index
        %get3A_229 = tpu.vector_load %arg11[%get3A_228] {strides = array<i32>} : memref<12616xi32, #tpu.memory_space<vmem>>, vector<16xi32>,
        %swap3A_230 = arith.constant 32 : index
        %swap3A_231 = tpu.vector_load %arg13[%swap3A_230] {strides = array<i32>} : memref<64xi32, #tpu.memory_space<vmem>>, vector<16xi32>,
        tpu.vector_store %arg13[%swap3A_230], %get3A_229 {strides = array<i32>} : memref<64xi32, #tpu.memory_space<vmem>>, vector<16xi32>,
        %add3A_232 = arith.constant 48 : i32
        %add3A_233 = arith.addi %mul3A_196, %add3A_232 : i32
        %get3A_234 = arith.index_cast %add3A_233 : i32 to index
        %get3A_235 = tpu.vector_load %arg10[%get3A_234] {strides = array<i32>} : memref<12616xi32, #tpu.memory_space<vmem>>, vector<16xi32>,
        %swap3A_236 = arith.constant 48 : index
        %swap3A_237 = tpu.vector_load %arg12[%swap3A_236] {strides = array<i32>} : memref<64xi32, #tpu.memory_space<vmem>>, vector<16xi32>,
        tpu.vector_store %arg12[%swap3A_236], %get3A_235 {strides = array<i32>} : memref<64xi32, #tpu.memory_space<vmem>>, vector<16xi32>,
        %add3A_238 = arith.constant 48 : i32
        %add3A_239 = arith.addi %mul3A_196, %add3A_238 : i32
        %get3A_240 = arith.index_cast %add3A_239 : i32 to index
        %get3A_241 = tpu.vector_load %arg11[%get3A_240] {strides = array<i32>} : memref<12616xi32, #tpu.memory_space<vmem>>, vector<16xi32>,
        %swap3A_242 = arith.constant 48 : index
        %swap3A_243 = tpu.vector_load %arg13[%swap3A_242] {strides = array<i32>} : memref<64xi32, #tpu.memory_space<vmem>>, vector<16xi32>,
        tpu.vector_store %arg13[%swap3A_242], %get3A_241 {strides = array<i32>} : memref<64xi32, #tpu.memory_space<vmem>>, vector<16xi32>,
        %dma_start3A = arith.constant 0 : i32
        %dma_start3A_244 = arith.constant 0 : i32
        %dma_start3A_245 = tpu.memref_slice %arg2[%dma_start3A, %dma_start3A_244] : memref<50000x128xf32, #tpu.memory_space<hbm>> -> memref<50000x128xf32, #tpu.memory_space<hbm>>
        tpu.enqueue_indirect_dma source(%dma_start3A_245 : memref<50000x128xf32, #tpu.memory_space<hbm>>) target(%arg14 : memref<64x128xf32, #tpu.memory_space<vmem>>) offsets(%arg12 : memref<64xi32, #tpu.memory_space<vmem>>) semaphore(%arg20 : memref<!tpu.dma_semaphore, #tpu.memory_space<semaphore_mem>>)
        %dma_wait3A = arith.constant 0 : i32
        %dma_wait3A_246 = arith.constant 0 : i32
        %dma_wait3A_247 = tpu.memref_slice %arg2[%dma_wait3A, %dma_wait3A_246] : memref<50000x128xf32, #tpu.memory_space<hbm>> -> memref<50000x128xf32, #tpu.memory_space<hbm>>
        tpu.wait_indirect_dma semaphore(%arg20 : memref<!tpu.dma_semaphore, #tpu.memory_space<semaphore_mem>>) src(%dma_wait3A_247 : memref<50000x128xf32, #tpu.memory_space<hbm>>) dst(%arg14 : memref<64x128xf32, #tpu.memory_space<vmem>>)
        "tpu.region"() ({
          %run_scoped3A = tpu.sem_alloc : memref<!tpu.dma_semaphore, #tpu.memory_space<semaphore_mem>>
          %dma_start3A_249 = arith.constant 0 : i32
          %dma_start3A_250 = arith.constant 0 : i32
          %dma_start3A_251 = tpu.memref_slice %arg6[%dma_start3A_249, %dma_start3A_250] : memref<8456x128xf32, #tpu.memory_space<vmem_shared>> -> memref<8456x128xf32, #tpu.memory_space<vmem_shared>>
          tpu.enqueue_indirect_dma source(%arg14 : memref<64x128xf32, #tpu.memory_space<vmem>>) target(%dma_start3A_251 : memref<8456x128xf32, #tpu.memory_space<vmem_shared>>) offsets(%arg13 : memref<64xi32, #tpu.memory_space<vmem>>) semaphore(%run_scoped3A : memref<!tpu.dma_semaphore, #tpu.memory_space<semaphore_mem>>) {add = true}
          %dma_wait3A_252 = arith.constant 0 : i32
          %dma_wait3A_253 = arith.constant 0 : i32
          %dma_wait3A_254 = tpu.memref_slice %arg6[%dma_wait3A_252, %dma_wait3A_253] : memref<8456x128xf32, #tpu.memory_space<vmem_shared>> -> memref<8456x128xf32, #tpu.memory_space<vmem_shared>>
          tpu.wait_indirect_dma semaphore(%run_scoped3A : memref<!tpu.dma_semaphore, #tpu.memory_space<semaphore_mem>>) src(%arg14 : memref<64x128xf32, #tpu.memory_space<vmem>>) dst(%dma_wait3A_254 : memref<8456x128xf32, #tpu.memory_space<vmem_shared>>)
          tpu.yield
        }) : () -> ()
        "tpu.region"() ({
          %run_scoped3A = tpu.sem_alloc : memref<!tpu.dma_semaphore, #tpu.memory_space<semaphore_mem>>
          %dma_start3A_249 = arith.constant 0 : i32
          %dma_start3A_250 = tpu.memref_slice %arg7[%dma_start3A_249] : memref<8456xf32, #tpu.memory_space<vmem_shared>> -> memref<8456xf32, #tpu.memory_space<vmem_shared>>
          tpu.enqueue_indirect_dma source(%arg15 : memref<64xf32, #tpu.memory_space<vmem>>) target(%dma_start3A_250 : memref<8456xf32, #tpu.memory_space<vmem_shared>>) offsets(%arg13 : memref<64xi32, #tpu.memory_space<vmem>>) semaphore(%run_scoped3A : memref<!tpu.dma_semaphore, #tpu.memory_space<semaphore_mem>>) {add = true}
          %dma_wait3A_251 = arith.constant 0 : i32
          %dma_wait3A_252 = tpu.memref_slice %arg7[%dma_wait3A_251] : memref<8456xf32, #tpu.memory_space<vmem_shared>> -> memref<8456xf32, #tpu.memory_space<vmem_shared>>
          tpu.wait_indirect_dma semaphore(%run_scoped3A : memref<!tpu.dma_semaphore, #tpu.memory_space<semaphore_mem>>) src(%arg15 : memref<64xf32, #tpu.memory_space<vmem>>) dst(%dma_wait3A_252 : memref<8456xf32, #tpu.memory_space<vmem_shared>>)
          tpu.yield
        }) : () -> ()
        %while3A_248 = arith.constant 0 : i32
        scf.yield %while3A_248 : i32
      }
      %barrier3A_172 = arith.constant 0 : index
      tpu.barrier barrier_id(%barrier3A_172)
      "tpu.region"() ({
        %run_scoped3A = tpu.sem_alloc : memref<!tpu.dma_semaphore, #tpu.memory_space<semaphore_mem>>
        %dma_start3A = arith.constant 0 : i32
        %dma_start3A_193 = tpu.memref_slice %arg19[%dma_start3A] : memref<544xf32, #tpu.memory_space<vmem>> -> memref<528xf32, #tpu.memory_space<vmem>>
        %dma_start3A_194 = tpu.memref_slice %arg7[%mul3A_27] : memref<8456xf32, #tpu.memory_space<vmem_shared>> -> memref<528xf32, #tpu.memory_space<vmem_shared>>
        %dma_start3A_195 = arith.constant 0 : i32
        %dma_start3A_196 = tpu.memref_slice %arg19[%dma_start3A_195] : memref<544xf32, #tpu.memory_space<vmem>> -> memref<528xf32, #tpu.memory_space<vmem>>
        %dma_start3A_197 = tpu.memref_slice %arg7[%mul3A_27] : memref<8456xf32, #tpu.memory_space<vmem_shared>> -> memref<528xf32, #tpu.memory_space<vmem_shared>>
        tpu.enqueue_dma source(%dma_start3A_197 : memref<528xf32, #tpu.memory_space<vmem_shared>>) target(%dma_start3A_196 : memref<528xf32, #tpu.memory_space<vmem>>) target_semaphore(%run_scoped3A : memref<!tpu.dma_semaphore, #tpu.memory_space<semaphore_mem>>)
        %dma_wait3A = arith.constant 0 : i32
        %dma_wait3A_198 = tpu.memref_slice %arg19[%dma_wait3A] : memref<544xf32, #tpu.memory_space<vmem>> -> memref<528xf32, #tpu.memory_space<vmem>>
        %dma_wait3A_199 = tpu.memref_slice %arg7[%mul3A_27] : memref<8456xf32, #tpu.memory_space<vmem_shared>> -> memref<528xf32, #tpu.memory_space<vmem_shared>>
        %dma_wait3A_200 = arith.constant 0 : i32
        %dma_wait3A_201 = tpu.memref_slice %arg19[%dma_wait3A_200] : memref<544xf32, #tpu.memory_space<vmem>> -> memref<528xf32, #tpu.memory_space<vmem>>
        %dma_wait3A_202 = tpu.memref_slice %arg7[%mul3A_27] : memref<8456xf32, #tpu.memory_space<vmem_shared>> -> memref<528xf32, #tpu.memory_space<vmem_shared>>
        tpu.wait_dma2 semaphore(%run_scoped3A : memref<!tpu.dma_semaphore, #tpu.memory_space<semaphore_mem>>) src(%dma_wait3A_202 : memref<528xf32, #tpu.memory_space<vmem_shared>>) dst(%dma_wait3A_201 : memref<528xf32, #tpu.memory_space<vmem>>)
        tpu.yield
      }) : () -> ()
      %scan3A_173 = arith.constant 0 : i32
      %scan3A_174 = arith.constant 0 : i32
      %scan3A_175 = arith.constant 33 : i32
      %scan3A_176 = arith.addi %scan3A_174, %scan3A_175 : i32
      %scan3A_177 = arith.constant 1 : i32
      %scan3A_178 = scf.for %scan3A_193 = %scan3A_174 to %scan3A_176 step %scan3A_177 iter_args(%scan3A_194 = %scan3A_173) -> (i32)  : i32 {
        %mul3A_195 = arith.constant 16 : i32
        %mul3A_196 = arith.muli %scan3A_193, %mul3A_195 : i32
        %get3A = arith.index_cast %mul3A_196 : i32 to index
        %get3A_197 = tpu.vector_load %arg19[%get3A] {strides = array<i32>} : memref<544xf32, #tpu.memory_space<vmem>>, vector<16xf32>,
        %max3A = arith.constant 1.000000e+00 : f32
        %max3A_198 = vector.broadcast %max3A : f32 to vector<16xf32>
        %max3A_199 = arith.maximumf %get3A_197, %max3A_198 : vector<16xf32>
        %div3A_200 = arith.constant 1.000000e+00 : f32
        %div3A_201 = vector.broadcast %div3A_200 : f32 to vector<16xf32>
        %div3A_202 = arith.divf %div3A_201, %max3A_199 : vector<16xf32>
        %mul3A_203 = arith.constant 16 : i32
        %mul3A_204 = arith.muli %scan3A_193, %mul3A_203 : i32
        %swap3A_205 = arith.index_cast %mul3A_204 : i32 to index
        %swap3A_206 = tpu.vector_load %arg19[%swap3A_205] {strides = array<i32>} : memref<544xf32, #tpu.memory_space<vmem>>, vector<16xf32>,
        tpu.vector_store %arg19[%swap3A_205], %div3A_202 {strides = array<i32>} : memref<544xf32, #tpu.memory_space<vmem>>, vector<16xf32>,
        %scan3A_207 = arith.constant 0 : i32
        scf.yield %scan3A_207 : i32
      }
      %scan3A_179 = arith.constant 33 : i32
      %mul3A_180 = arith.constant 50688 : i32
      %mul3A_181 = arith.muli %select_n3A, %mul3A_180 : i32
      %add3A_182 = arith.addi %mul3A_181, %mul3A_70 : i32
      %add3A_183 = arith.addi %add3A_182, %mul3A_27 : i32
      %scan3A_184 = arith.constant 0 : i32
      %scan3A_185 = arith.constant 0 : i32
      %scan3A_186 = arith.constant 11 : i32
      %scan3A_187 = arith.addi %scan3A_185, %scan3A_186 : i32
      %scan3A_188 = arith.constant 1 : i32
      %scan3A_189 = scf.for %scan3A_193 = %scan3A_185 to %scan3A_187 step %scan3A_188 iter_args(%scan3A_194 = %scan3A_184) -> (i32)  : i32 {
        %mul3A_195 = arith.constant 48 : i32
        %mul3A_196 = arith.muli %scan3A_193, %mul3A_195 : i32
        %add3A_197 = arith.addi %mul3A_27, %mul3A_196 : i32
        "tpu.region"() ({
          %run_scoped3A = tpu.sem_alloc : memref<!tpu.dma_semaphore, #tpu.memory_space<semaphore_mem>>
          %dma_start3A = arith.constant 0 : i32
          %dma_start3A_209 = tpu.memref_slice %arg6[%add3A_197, %dma_start3A] : memref<8456x128xf32, #tpu.memory_space<vmem_shared>> -> memref<48x128xf32, #tpu.memory_space<vmem_shared>>
          %dma_start3A_210 = arith.constant 0 : i32
          %dma_start3A_211 = tpu.memref_slice %arg6[%add3A_197, %dma_start3A_210] : memref<8456x128xf32, #tpu.memory_space<vmem_shared>> -> memref<48x128xf32, #tpu.memory_space<vmem_shared>>
          tpu.enqueue_dma source(%dma_start3A_211 : memref<48x128xf32, #tpu.memory_space<vmem_shared>>) target(%arg16 : memref<48x128xf32, #tpu.memory_space<vmem>>) target_semaphore(%run_scoped3A : memref<!tpu.dma_semaphore, #tpu.memory_space<semaphore_mem>>)
          %dma_wait3A = arith.constant 0 : i32
          %dma_wait3A_212 = tpu.memref_slice %arg6[%add3A_197, %dma_wait3A] : memref<8456x128xf32, #tpu.memory_space<vmem_shared>> -> memref<48x128xf32, #tpu.memory_space<vmem_shared>>
          %dma_wait3A_213 = arith.constant 0 : i32
          %dma_wait3A_214 = tpu.memref_slice %arg6[%add3A_197, %dma_wait3A_213] : memref<8456x128xf32, #tpu.memory_space<vmem_shared>> -> memref<48x128xf32, #tpu.memory_space<vmem_shared>>
          tpu.wait_dma2 semaphore(%run_scoped3A : memref<!tpu.dma_semaphore, #tpu.memory_space<semaphore_mem>>) src(%dma_wait3A_214 : memref<48x128xf32, #tpu.memory_space<vmem_shared>>) dst(%arg16 : memref<48x128xf32, #tpu.memory_space<vmem>>)
          tpu.yield
        }) : () -> ()
        %scan3A_198 = arith.constant 0 : i32
        %scan3A_199 = arith.constant 0 : i32
        %scan3A_200 = arith.constant 48 : i32
        %scan3A_201 = arith.addi %scan3A_199, %scan3A_200 : i32
        %scan3A_202 = arith.constant 1 : i32
        %scan3A_203 = scf.for %scan3A_209 = %scan3A_199 to %scan3A_201 step %scan3A_202 iter_args(%scan3A_210 = %scan3A_198) -> (i32)  : i32 {
          %mul3A_211 = arith.constant 48 : i32
          %mul3A_212 = arith.muli %scan3A_193, %mul3A_211 : i32
          %add3A_213 = arith.addi %mul3A_212, %scan3A_209 : i32
          %get3A = arith.index_cast %add3A_213 : i32 to index
          %get3A_214 = tpu.vector_load %arg19[%get3A] {strides = array<i32>} : memref<544xf32, #tpu.memory_space<vmem>>, vector<16xf32>,
          %slice3A = vector.extract_strided_slice %get3A_214 {offsets = [0], sizes = [1], strides = [1]} : vector<16xf32> to vector<1xf32>
          %squeeze3A = vector.extract %slice3A[0] : f32 from vector<1xf32>
          %broadcast_in_dim3A_215 = vector.broadcast %squeeze3A : f32 to vector<16xf32>
          %get3A_216 = arith.index_cast %scan3A_209 : i32 to index
          %get3A_217 = arith.constant 0 : index
          %get3A_218 = tpu.vector_load %arg16[%get3A_216, %get3A_217] {strides = array<i32>} : memref<48x128xf32, #tpu.memory_space<vmem>>, vector<16xf32>,
          %mul3A_219 = arith.mulf %get3A_218, %broadcast_in_dim3A_215 : vector<16xf32>
          %swap3A_220 = arith.index_cast %scan3A_209 : i32 to index
          %swap3A_221 = arith.constant 0 : index
          %swap3A_222 = tpu.vector_load %arg16[%swap3A_220, %swap3A_221] {strides = array<i32>} : memref<48x128xf32, #tpu.memory_space<vmem>>, vector<16xf32>,
          tpu.vector_store %arg16[%swap3A_220, %swap3A_221], %mul3A_219 {strides = array<i32>} : memref<48x128xf32, #tpu.memory_space<vmem>>, vector<16xf32>,
          %get3A_223 = arith.index_cast %scan3A_209 : i32 to index
          %get3A_224 = arith.constant 16 : index
          %get3A_225 = tpu.vector_load %arg16[%get3A_223, %get3A_224] {strides = array<i32>} : memref<48x128xf32, #tpu.memory_space<vmem>>, vector<16xf32>,
          %mul3A_226 = arith.mulf %get3A_225, %broadcast_in_dim3A_215 : vector<16xf32>
          %swap3A_227 = arith.index_cast %scan3A_209 : i32 to index
          %swap3A_228 = arith.constant 16 : index
          %swap3A_229 = tpu.vector_load %arg16[%swap3A_227, %swap3A_228] {strides = array<i32>} : memref<48x128xf32, #tpu.memory_space<vmem>>, vector<16xf32>,
          tpu.vector_store %arg16[%swap3A_227, %swap3A_228], %mul3A_226 {strides = array<i32>} : memref<48x128xf32, #tpu.memory_space<vmem>>, vector<16xf32>,
          %get3A_230 = arith.index_cast %scan3A_209 : i32 to index
          %get3A_231 = arith.constant 32 : index
          %get3A_232 = tpu.vector_load %arg16[%get3A_230, %get3A_231] {strides = array<i32>} : memref<48x128xf32, #tpu.memory_space<vmem>>, vector<16xf32>,
          %mul3A_233 = arith.mulf %get3A_232, %broadcast_in_dim3A_215 : vector<16xf32>
          %swap3A_234 = arith.index_cast %scan3A_209 : i32 to index
          %swap3A_235 = arith.constant 32 : index
          %swap3A_236 = tpu.vector_load %arg16[%swap3A_234, %swap3A_235] {strides = array<i32>} : memref<48x128xf32, #tpu.memory_space<vmem>>, vector<16xf32>,
          tpu.vector_store %arg16[%swap3A_234, %swap3A_235], %mul3A_233 {strides = array<i32>} : memref<48x128xf32, #tpu.memory_space<vmem>>, vector<16xf32>,
          %get3A_237 = arith.index_cast %scan3A_209 : i32 to index
          %get3A_238 = arith.constant 48 : index
          %get3A_239 = tpu.vector_load %arg16[%get3A_237, %get3A_238] {strides = array<i32>} : memref<48x128xf32, #tpu.memory_space<vmem>>, vector<16xf32>,
          %mul3A_240 = arith.mulf %get3A_239, %broadcast_in_dim3A_215 : vector<16xf32>
          %swap3A_241 = arith.index_cast %scan3A_209 : i32 to index
          %swap3A_242 = arith.constant 48 : index
          %swap3A_243 = tpu.vector_load %arg16[%swap3A_241, %swap3A_242] {strides = array<i32>} : memref<48x128xf32, #tpu.memory_space<vmem>>, vector<16xf32>,
          tpu.vector_store %arg16[%swap3A_241, %swap3A_242], %mul3A_240 {strides = array<i32>} : memref<48x128xf32, #tpu.memory_space<vmem>>, vector<16xf32>,
          %get3A_244 = arith.index_cast %scan3A_209 : i32 to index
          %get3A_245 = arith.constant 64 : index
          %get3A_246 = tpu.vector_load %arg16[%get3A_244, %get3A_245] {strides = array<i32>} : memref<48x128xf32, #tpu.memory_space<vmem>>, vector<16xf32>,
          %mul3A_247 = arith.mulf %get3A_246, %broadcast_in_dim3A_215 : vector<16xf32>
          %swap3A_248 = arith.index_cast %scan3A_209 : i32 to index
          %swap3A_249 = arith.constant 64 : index
          %swap3A_250 = tpu.vector_load %arg16[%swap3A_248, %swap3A_249] {strides = array<i32>} : memref<48x128xf32, #tpu.memory_space<vmem>>, vector<16xf32>,
          tpu.vector_store %arg16[%swap3A_248, %swap3A_249], %mul3A_247 {strides = array<i32>} : memref<48x128xf32, #tpu.memory_space<vmem>>, vector<16xf32>,
          %get3A_251 = arith.index_cast %scan3A_209 : i32 to index
          %get3A_252 = arith.constant 80 : index
          %get3A_253 = tpu.vector_load %arg16[%get3A_251, %get3A_252] {strides = array<i32>} : memref<48x128xf32, #tpu.memory_space<vmem>>, vector<16xf32>,
          %mul3A_254 = arith.mulf %get3A_253, %broadcast_in_dim3A_215 : vector<16xf32>
          %swap3A_255 = arith.index_cast %scan3A_209 : i32 to index
          %swap3A_256 = arith.constant 80 : index
          %swap3A_257 = tpu.vector_load %arg16[%swap3A_255, %swap3A_256] {strides = array<i32>} : memref<48x128xf32, #tpu.memory_space<vmem>>, vector<16xf32>,
          tpu.vector_store %arg16[%swap3A_255, %swap3A_256], %mul3A_254 {strides = array<i32>} : memref<48x128xf32, #tpu.memory_space<vmem>>, vector<16xf32>,
          %get3A_258 = arith.index_cast %scan3A_209 : i32 to index
          %get3A_259 = arith.constant 96 : index
          %get3A_260 = tpu.vector_load %arg16[%get3A_258, %get3A_259] {strides = array<i32>} : memref<48x128xf32, #tpu.memory_space<vmem>>, vector<16xf32>,
          %mul3A_261 = arith.mulf %get3A_260, %broadcast_in_dim3A_215 : vector<16xf32>
          %swap3A_262 = arith.index_cast %scan3A_209 : i32 to index
          %swap3A_263 = arith.constant 96 : index
          %swap3A_264 = tpu.vector_load %arg16[%swap3A_262, %swap3A_263] {strides = array<i32>} : memref<48x128xf32, #tpu.memory_space<vmem>>, vector<16xf32>,
          tpu.vector_store %arg16[%swap3A_262, %swap3A_263], %mul3A_261 {strides = array<i32>} : memref<48x128xf32, #tpu.memory_space<vmem>>, vector<16xf32>,
          %get3A_265 = arith.index_cast %scan3A_209 : i32 to index
          %get3A_266 = arith.constant 112 : index
          %get3A_267 = tpu.vector_load %arg16[%get3A_265, %get3A_266] {strides = array<i32>} : memref<48x128xf32, #tpu.memory_space<vmem>>, vector<16xf32>,
          %mul3A_268 = arith.mulf %get3A_267, %broadcast_in_dim3A_215 : vector<16xf32>
          %swap3A_269 = arith.index_cast %scan3A_209 : i32 to index
          %swap3A_270 = arith.constant 112 : index
          %swap3A_271 = tpu.vector_load %arg16[%swap3A_269, %swap3A_270] {strides = array<i32>} : memref<48x128xf32, #tpu.memory_space<vmem>>, vector<16xf32>,
          tpu.vector_store %arg16[%swap3A_269, %swap3A_270], %mul3A_268 {strides = array<i32>} : memref<48x128xf32, #tpu.memory_space<vmem>>, vector<16xf32>,
          %scan3A_272 = arith.constant 0 : i32
          scf.yield %scan3A_272 : i32
        }
        %scan3A_204 = arith.constant 48 : i32
        %mul3A_205 = arith.constant 48 : i32
        %mul3A_206 = arith.muli %scan3A_193, %mul3A_205 : i32
        %add3A_207 = arith.addi %add3A_183, %mul3A_206 : i32
        "tpu.region"() ({
          %run_scoped3A = tpu.sem_alloc : memref<!tpu.dma_semaphore, #tpu.memory_space<semaphore_mem>>
          %dma_start3A = arith.constant 0 : i32
          %dma_start3A_209 = tpu.memref_slice %arg5[%add3A_207, %dma_start3A] : memref<152064x128xf32, #tpu.memory_space<hbm>> -> memref<48x128xf32, #tpu.memory_space<hbm>>
          %dma_start3A_210 = arith.constant 0 : i32
          %dma_start3A_211 = tpu.memref_slice %arg5[%add3A_207, %dma_start3A_210] : memref<152064x128xf32, #tpu.memory_space<hbm>> -> memref<48x128xf32, #tpu.memory_space<hbm>>
          tpu.enqueue_dma source(%arg16 : memref<48x128xf32, #tpu.memory_space<vmem>>) target(%dma_start3A_211 : memref<48x128xf32, #tpu.memory_space<hbm>>) target_semaphore(%run_scoped3A : memref<!tpu.dma_semaphore, #tpu.memory_space<semaphore_mem>>)
          %dma_wait3A = arith.constant 0 : i32
          %dma_wait3A_212 = tpu.memref_slice %arg5[%add3A_207, %dma_wait3A] : memref<152064x128xf32, #tpu.memory_space<hbm>> -> memref<48x128xf32, #tpu.memory_space<hbm>>
          %dma_wait3A_213 = arith.constant 0 : i32
          %dma_wait3A_214 = tpu.memref_slice %arg5[%add3A_207, %dma_wait3A_213] : memref<152064x128xf32, #tpu.memory_space<hbm>> -> memref<48x128xf32, #tpu.memory_space<hbm>>
          tpu.wait_dma2 semaphore(%run_scoped3A : memref<!tpu.dma_semaphore, #tpu.memory_space<semaphore_mem>>) src(%arg16 : memref<48x128xf32, #tpu.memory_space<vmem>>) dst(%dma_wait3A_214 : memref<48x128xf32, #tpu.memory_space<hbm>>)
          tpu.yield
        }) : () -> ()
        %scan3A_208 = arith.constant 0 : i32
        scf.yield %scan3A_208 : i32
      }
      %scan3A_190 = arith.constant 11 : i32
      %barrier3A_191 = arith.constant 0 : index
      tpu.barrier barrier_id(%barrier3A_191)
      %scan3A_192 = arith.constant 0 : i32
      scf.yield %scan3A_192 : i32
    }
    %scan3A_34 = arith.constant 9 : i32
    return
  }
}

module attributes {stable_mosaic.version = 14 : i64} {
  func.func @_combine_body(%arg0: i32, %arg1: memref<128x128xf32, #tpu.memory_space<vmem>>, %arg2: memref<128x128xf32, #tpu.memory_space<vmem>>, %arg3: memref<128x128xf32, #tpu.memory_space<vmem>>, %arg4: memref<128x128xf32, #tpu.memory_space<vmem>>, %arg5: memref<512x128xf32, #tpu.memory_space<vmem>>, %arg6: memref<512x128xf32, #tpu.memory_space<vmem>>, %arg7: memref<512x128xf32, #tpu.memory_space<vmem>>, %arg8: memref<512x128xf32, #tpu.memory_space<vmem>>, %arg9: memref<512x128xf32, #tpu.memory_space<vmem>>) attributes {dimension_semantics = [#tpu.dimension_semantics<arbitrary>], iteration_bounds = array<i64: 99>, scalar_prefetch = 0 : i64, scratch_operands = 0 : i64, tpu.core_type = #tpu.core_type<tc>, window_params = [{pipeline_mode = #tpu.pipeline_mode<synchronous>, transform_indices = @transform_0, window_bounds = array<i64: 128, 128>}, {pipeline_mode = #tpu.pipeline_mode<synchronous>, transform_indices = @transform_1, window_bounds = array<i64: 128, 128>}, {pipeline_mode = #tpu.pipeline_mode<synchronous>, transform_indices = @transform_2, window_bounds = array<i64: 128, 128>}, {pipeline_mode = #tpu.pipeline_mode<synchronous>, transform_indices = @transform_3, window_bounds = array<i64: 128, 128>}, {transform_indices = @transform_4, window_bounds = array<i64: 512, 128>}, {transform_indices = @transform_5, window_bounds = array<i64: 512, 128>}, {transform_indices = @transform_6, window_bounds = array<i64: 512, 128>}, {transform_indices = @transform_7, window_bounds = array<i64: 512, 128>}, {transform_indices = @transform_8, window_bounds = array<i64: 512, 128>}]} {
    %get3A = arith.constant 0 : index
    %get3A_0 = arith.constant 0 : index
    %get3A_1 = vector.load %arg5[%get3A, %get3A_0] : memref<512x128xf32, #tpu.memory_space<vmem>>, vector<512x128xf32>
    %get3A_2 = arith.constant 0 : index
    %get3A_3 = arith.constant 0 : index
    %get3A_4 = vector.load %arg1[%get3A_2, %get3A_3] : memref<128x128xf32, #tpu.memory_space<vmem>>, vector<128x128xf32>
    %dot_general3A = arith.constant dense<0.000000e+00> : vector<512x128xf32>
    %dot_general3A_5 = tpu.matmul %get3A_1, %get3A_4, %dot_general3A {dimension_numbers = #tpu.dot_dimension_numbers<[1], [0], [0], [1], [0, 0, 1, 1], [], []>, transpose_lhs_hint = false} : vector<512x128xf32>, vector<128x128xf32>, vector<512x128xf32> -> vector<512x128xf32>
    %get3A_6 = arith.constant 0 : index
    %get3A_7 = arith.constant 0 : index
    %get3A_8 = vector.load %arg6[%get3A_6, %get3A_7] : memref<512x128xf32, #tpu.memory_space<vmem>>, vector<512x128xf32>
    %get3A_9 = arith.constant 0 : index
    %get3A_10 = arith.constant 0 : index
    %get3A_11 = vector.load %arg2[%get3A_9, %get3A_10] : memref<128x128xf32, #tpu.memory_space<vmem>>, vector<128x128xf32>
    %dot_general3A_12 = arith.constant dense<0.000000e+00> : vector<512x128xf32>
    %dot_general3A_13 = tpu.matmul %get3A_8, %get3A_11, %dot_general3A_12 {dimension_numbers = #tpu.dot_dimension_numbers<[1], [0], [0], [1], [0, 0, 1, 1], [], []>, transpose_lhs_hint = false} : vector<512x128xf32>, vector<128x128xf32>, vector<512x128xf32> -> vector<512x128xf32>
    %add3A = arith.addf %dot_general3A_5, %dot_general3A_13 : vector<512x128xf32>
    %get3A_14 = arith.constant 0 : index
    %get3A_15 = arith.constant 0 : index
    %get3A_16 = vector.load %arg7[%get3A_14, %get3A_15] : memref<512x128xf32, #tpu.memory_space<vmem>>, vector<512x128xf32>
    %get3A_17 = arith.constant 0 : index
    %get3A_18 = arith.constant 0 : index
    %get3A_19 = vector.load %arg3[%get3A_17, %get3A_18] : memref<128x128xf32, #tpu.memory_space<vmem>>, vector<128x128xf32>
    %dot_general3A_20 = arith.constant dense<0.000000e+00> : vector<512x128xf32>
    %dot_general3A_21 = tpu.matmul %get3A_16, %get3A_19, %dot_general3A_20 {dimension_numbers = #tpu.dot_dimension_numbers<[1], [0], [0], [1], [0, 0, 1, 1], [], []>, transpose_lhs_hint = false} : vector<512x128xf32>, vector<128x128xf32>, vector<512x128xf32> -> vector<512x128xf32>
    %add3A_22 = arith.addf %add3A, %dot_general3A_21 : vector<512x128xf32>
    %get3A_23 = arith.constant 0 : index
    %get3A_24 = arith.constant 0 : index
    %get3A_25 = vector.load %arg8[%get3A_23, %get3A_24] : memref<512x128xf32, #tpu.memory_space<vmem>>, vector<512x128xf32>
    %get3A_26 = arith.constant 0 : index
    %get3A_27 = arith.constant 0 : index
    %get3A_28 = vector.load %arg4[%get3A_26, %get3A_27] : memref<128x128xf32, #tpu.memory_space<vmem>>, vector<128x128xf32>
    %dot_general3A_29 = arith.constant dense<0.000000e+00> : vector<512x128xf32>
    %dot_general3A_30 = tpu.matmul %get3A_25, %get3A_28, %dot_general3A_29 {dimension_numbers = #tpu.dot_dimension_numbers<[1], [0], [0], [1], [0, 0, 1, 1], [], []>, transpose_lhs_hint = false} : vector<512x128xf32>, vector<128x128xf32>, vector<512x128xf32> -> vector<512x128xf32>
    %add3A_31 = arith.addf %add3A_22, %dot_general3A_30 : vector<512x128xf32>
    %swap3A = arith.constant 0 : index
    %swap3A_32 = arith.constant 0 : index
    %swap3A_33 = vector.load %arg9[%swap3A, %swap3A_32] : memref<512x128xf32, #tpu.memory_space<vmem>>, vector<512x128xf32>
    tpu.vector_store %arg9[%swap3A, %swap3A_32], %add3A_31 {strides = array<i32>} : memref<512x128xf32, #tpu.memory_space<vmem>>, vector<512x128xf32>,
    return
  }
  func.func @transform_0(%arg0: i32) -> (i32, i32) {
    %c0_i32 = arith.constant 0 : i32
    %c0_i32_0 = arith.constant 0 : i32
    %c0_i32_1 = arith.constant 0 : i32
    return %c0_i32, %c0_i32_0 : i32, i32
  }
  func.func @transform_1(%arg0: i32) -> (i32, i32) {
    %c0_i32 = arith.constant 0 : i32
    %c0_i32_0 = arith.constant 0 : i32
    %c0_i32_1 = arith.constant 0 : i32
    return %c0_i32, %c0_i32_0 : i32, i32
  }
  func.func @transform_2(%arg0: i32) -> (i32, i32) {
    %c0_i32 = arith.constant 0 : i32
    %c0_i32_0 = arith.constant 0 : i32
    %c0_i32_1 = arith.constant 0 : i32
    return %c0_i32, %c0_i32_0 : i32, i32
  }
  func.func @transform_3(%arg0: i32) -> (i32, i32) {
    %c0_i32 = arith.constant 0 : i32
    %c0_i32_0 = arith.constant 0 : i32
    %c0_i32_1 = arith.constant 0 : i32
    return %c0_i32, %c0_i32_0 : i32, i32
  }
  func.func @transform_4(%arg0: i32) -> (i32, i32) {
    %c0_i32 = arith.constant 0 : i32
    %c0_i32_0 = arith.constant 0 : i32
    return %arg0, %c0_i32 : i32, i32
  }
  func.func @transform_5(%arg0: i32) -> (i32, i32) {
    %c0_i32 = arith.constant 0 : i32
    %c0_i32_0 = arith.constant 0 : i32
    return %arg0, %c0_i32 : i32, i32
  }
  func.func @transform_6(%arg0: i32) -> (i32, i32) {
    %c0_i32 = arith.constant 0 : i32
    %c0_i32_0 = arith.constant 0 : i32
    return %arg0, %c0_i32 : i32, i32
  }
  func.func @transform_7(%arg0: i32) -> (i32, i32) {
    %c0_i32 = arith.constant 0 : i32
    %c0_i32_0 = arith.constant 0 : i32
    return %arg0, %c0_i32 : i32, i32
  }
  func.func @transform_8(%arg0: i32) -> (i32, i32) {
    %c0_i32 = arith.constant 0 : i32
    %c0_i32_0 = arith.constant 0 : i32
    return %arg0, %c0_i32 : i32, i32
  }
}

</mosaic_0001>

<sc_bundles>
// kernel: kernel.4.cloned.1.call-start
scs
__scs_entry_jumppad:
0x0: {  	(pc) =	sbr.rel $0x88, $3  }
0x1: {  	(tag) =	ssettag $0x0;
	lr =	simm.s32 $0x1  }
0x2: {  	[smem:$0x3F9B] =	sst lr;
	_ =	strace $0xD0000000  }
0x3: {  	_ = 	snop  }
0x4: {  	_ = 	snop  }
0x5: {  	_ = 	snop  }
0x6: {  	_ = 	snop  }
0x7: {  	_ = 	snop  }
__scs_overlays_trampoline_lowered:
0x8: {  	[smem:$0x3FAA] =	sst s0  }
0x9: {  	[smem:$0x3FAB] =	sst s1  }
0xa: {  	[smem:$0x3FAC] =	sst s2  }
0xb: {  	[smem:$0x3FAD] =	sst s3  }
0xc: {  	[smem:$0x3FAE] =	sst s4  }
0xd: {  	[smem:$0x3FAF] =	sst s5  }
0xe: {  	[smem:$0x3FB0] =	sst s6  }
0xf: {  	[smem:$0x3FB1] =	sst s7  }
0x10: {  	[smem:$0x3FB2] =	sst s8  }
0x11: {  	[smem:$0x3FB3] =	sst s9;
	s0 =	simm.s32 @!p0 $0x0  }
0x12: {  	s1 =	sld [smem:$0x3F99];
	s0 =	simm.s32 @p0 $0x1  }
0x13: {  	[smem:$0x3FB4] =	sst s0;
	s0 =	simm.s32 @!p1 $0x0  }
0x14: {  	s2 =	sld [smem:$0x3F98];
	s0 =	simm.s32 @p1 $0x1  }
0x15: {  	[smem:$0x3FB5] =	sst s0;
	s0 =	simm.s32 @!p2 $0x0  }
0x16: {  	s3 =	sld [smem:$0x3FDB];
	s0 =	simm.s32 @p2 $0x1  }
0x17: {  	s4 =	simm.s32 $0x1BF5;
	[smem:$0x3FB7] =	sst s0  }
0x18: {  	s0 =	sld [smem:$0x3F9A];
	_ =	swait.ge [sflag:s4], $0x0  }
0x19: {  	s7 =	sld [smem:$0x3F9B]  }
0x1a: {  	s8 =	sadd.s32 $0xFFFFE003, lr  }
0x1b: {  	s9 =	sadd.s32 $0xFFFFFEF7, lr;
	s5 =	simm.s32 $0xFFFFFFFF;
	p2 =	slt.u32 s8, $0xFFFFF086  }
0x1c: {  	p1 =	slt.u32 s9, $0xF7A;
	s5 =	simm.s32 @!p2 $0x0  }
0x1d: {  	s5 =	simm.s32 @p1 $0x1;
	p0 =	seq.s32 s7, s2  }
0x1e: {  	s7 =	smul.u32 @!p0 $0xF7A, s2;
	p2 =	seq.s32 @!p0 s5, $0x0  }
0x1f: {  	s9 =	smul.u32 $0xF7A, s1;
	s8 =	simm.s32 @!p0 $0x1BF5;
	p2 =	por !p2, p0  }
0x20: {  	[sflag:s8] =	ssyncset.s32 @!p0 $0xFFFFF086;
	s6 =	sadd.s32 @!p0 s3, s7;
	s7 =	simm.s32 @!p0 $0x108  }
0x21: {  	s3 =	sadd.s32 s3, s9;
	s6 =	sadd.s32 @!p0 $0x88, s6;
	s7 =	simm.s32 @p2 $0x1082  }
0x22: {  	[simem:s7], [sflag:s8] =	dma.local @!p0 [hbm:s6], $0xF7A  }
0x23: {  	s9 =	sor.u32 $0xD0000000, s2;
	s6 =	simm.s32 $0x108;
	_ =	swait.ge @!p0 [sflag:s8], $0x0  }
0x24: {  	s3 =	sadd.s32 $0x88, s3;
	s6 =	simm.s32 @!p1 $0x1082;
	[sflag:s4] =	ssyncset.s32 $0xFFFFF086  }
0x25: {  	[simem:s6], [sflag:s4] =	dma.local [hbm:s3], $0xF7A  }
0x26: {  	[smem:$0x3F9B] =	sst s1;
	(tag) =	ssettag s2;
	_ =	strace s9  }
0x27: {  	s1 =	sld [smem:$0x3FAB]  }
0x28: {  	s2 =	sld [smem:$0x3FAC]  }
0x29: {  	s4 =	sld [smem:$0x3FAE]  }
0x2a: {  	p0 =	seq.s32 s5, $0x0;
	s5 =	sld [smem:$0x3FAF]  }
0x2b: {  	s6 =	sld [smem:$0x3FB0]  }
0x2c: {  	s7 =	sld [smem:$0x3FB1]  }
0x2d: {  	s3 =	simm.s32 $0x108;
	s8 =	sld [smem:$0x3FB2]  }
0x2e: {  	s3 =	simm.s32 @!p0 $0x1082;
	s9 =	sld [smem:$0x3FB3]  }
0x2f: {  	lr =	sadd.s32 s0, s3;
	s0 =	sld [smem:$0x3FAA]  }
0x30: {  	s3 =	sld [smem:$0x3FAD]  }
0x31: {  	[smem:$0x3FB6] =	sst s10  }
0x32: {  	s10 =	sld [smem:$0x3FB4];
	_ =	sdelay $0x3  }
0x33: {  	p0 =	seq.s32 s10, $0x1;
	s10 =	sld [smem:$0x3FB6];
	_ =	sdelay $0x3  }
0x34: {  	[smem:$0x3FB6] =	sst s10  }
0x35: {  	s10 =	sld [smem:$0x3FB5];
	_ =	sdelay $0x3  }
0x36: {  	p1 =	seq.s32 s10, $0x1;
	s10 =	sld [smem:$0x3FB6];
	_ =	sdelay $0x3  }
0x37: {  	[smem:$0x3FB6] =	sst s10  }
0x38: {  	s10 =	sld [smem:$0x3FB7]  }
0x39: {  	_ = 	snop;
	(pc) =	sbr.ind lr, $3  }
0x3a: {  	_ = 	snop  }
0x3b: {  	_ = 	snop  }
0x3c: {  	p2 =	seq.s32 s10, $0x1;
	s10 =	sld [smem:$0x3FB6]  }
0x3d: {  	_ =	shalt  }
0x3e: {  	_ =	shalt  }
0x3f: {  	_ =	shalt  }
0x40: {  	_ =	shalt  }
0x41: {  	_ =	shalt  }
0x42: {  	_ =	shalt  }
0x43: {  	_ =	shalt  }
0x44: {  	_ =	shalt  }
0x45: {  	_ =	shalt  }
0x46: {  	_ =	shalt  }
0x47: {  	_ =	shalt  }
0x48: {  	_ =	shalt  }
0x49: {  	_ =	shalt  }
0x4a: {  	_ =	shalt  }
0x4b: {  	_ =	shalt  }
0x4c: {  	_ =	shalt  }
0x4d: {  	_ =	shalt  }
0x4e: {  	_ =	shalt  }
0x4f: {  	_ =	shalt  }
0x50: {  	_ =	shalt  }
0x51: {  	_ =	shalt  }
0x52: {  	_ =	shalt  }
0x53: {  	_ =	shalt  }
0x54: {  	_ =	shalt  }
0x55: {  	_ =	shalt  }
0x56: {  	_ =	shalt  }
0x57: {  	_ =	shalt  }
0x58: {  	_ =	shalt  }
0x59: {  	_ =	shalt  }
0x5a: {  	_ =	shalt  }
0x5b: {  	_ =	shalt  }
0x5c: {  	_ =	shalt  }
0x5d: {  	_ =	shalt  }
0x5e: {  	_ =	shalt  }
0x5f: {  	_ =	shalt  }
0x60: {  	_ =	shalt  }
0x61: {  	_ =	shalt  }
0x62: {  	_ =	shalt  }
0x63: {  	_ =	shalt  }
0x64: {  	_ =	shalt  }
0x65: {  	_ =	shalt  }
0x66: {  	_ =	shalt  }
0x67: {  	_ =	shalt  }
0x68: {  	_ =	shalt  }
0x69: {  	_ =	shalt  }
0x6a: {  	_ =	shalt  }
0x6b: {  	_ =	shalt  }
0x6c: {  	_ =	shalt  }
0x6d: {  	_ =	shalt  }
0x6e: {  	_ =	shalt  }
0x6f: {  	_ =	shalt  }
0x70: {  	_ =	shalt  }
0x71: {  	_ =	shalt  }
0x72: {  	_ =	shalt  }
0x73: {  	_ =	shalt  }
0x74: {  	_ =	shalt  }
0x75: {  	_ =	shalt  }
0x76: {  	_ =	shalt  }
0x77: {  	_ =	shalt  }
0x78: {  	_ =	shalt  }
0x79: {  	_ =	shalt  }
0x7a: {  	_ =	shalt  }
0x7b: {  	_ =	shalt  }
0x7c: {  	_ =	shalt  }
0x7d: {  	_ =	shalt  }
0x7e: {  	_ =	shalt  }
0x7f: {  	_ =	shalt  }
0x80: {  	_ =	shalt  }
0x81: {  	_ =	shalt  }
0x82: {  	_ =	shalt  }
0x83: {  	_ =	shalt  }
0x84: {  	_ =	shalt  }
0x85: {  	_ =	shalt  }
0x86: {  	_ =	shalt  }
0x87: {  	_ =	shalt  }
.Lfunc_end0:
.L_simem_size_0:
called_computation_lowered:
.L_overlay_start_0:
0x88: {  	s2 =	sld [smem:$0x3FD9]  }
0x89: {  	s3 =	sld [smem:$0x3FFE];
	_ =	sdelay $0x1  }
0x8a: {  	s1 =	srdreg.scid  }
0x8b: {  	s0 =	sand.u32 $0x1, s1  }
0x8c: {  	s17 =	sshll.u32 s0, $0xA;
	s2 =	sadd.s32 s3, s2  }
0x8d: {  	s2 =	sadd.s32 s2, s17  }
0x8e: {  	[smem:$0x3FC2] =	sst s2  }
0x8f: {  	_ = 	snop  }
0x90: {  	s2 =	sld [smem:$0x3FC9]  }
0x91: {  	s18 =	sld [smem:$0x3FD0];
	(tm) =	ssettm $0x1  }
0x92: {  	s4 =	sld [smem:$0x3FFB];
	_ =	sdelay $0x3  }
0x93: {  	_ =	strace s4  }
0x94: {  	s4 =	sld [smem:$0x3FFC];
	_ =	sdelay $0x3  }
0x95: {  	_ =	strace s4  }
0x96: {  	s4 =	sld [smem:$0x3FFD];
	_ =	sdelay $0x3  }
0x97: {  	_ =	strace s4  }
0x98: {  	_ =	strace $0x8FFFFFFF  }
0x99: {  	s19 =	sld [smem:$0x3FDB];
	_ =	sdelay $0x1  }
0x9a: {  	s5 =	simm.s32 $_scs_section_size  }
0x9b: {  	s6 =	simm.s32 $_size__tile_overlayer_lowered;
	s7 =	simm.s32 $_tile_overlayer_lowered  }
0x9c: {  	s22 =	simm.s32 $0x1BFF;
	s21 =	sshll.u32 s7, $0x1;
	s4 =	sadd.s32 s5, s19  }
0x9d: {  	s8 =	simm.s32 $0x0;
	s20 =	sshll.u32 s6, $0x1;
	s6 =	sadd.s32 s21, s4  }
0x9e: {  	[timem:s8], [sflag:s22] =	dma.local [hbm:s6], s20  }
0x9f: {  	_ =	swait.ge [sflag:s22], s20  }
0xa0: {  	s5 =	ssub.s32 $0x0, s20;
	[sflag:s22] =	ssyncset.done $0x0  }
0xa1: {  	[sflag:s22] =	ssyncadd.s32 s5;
	_ =	sdelay $0x1  }
0xa2: {  	s23 =	simm.s32 $0x1B8B  }
0xa3: {  	_ =	swait.ge [sflag:s23], $0x1  }
0xa4: {  	[sflag:s23] =	ssyncset.done $0x0  }
0xa5: {  	s25 =	simm.s32 $0x1B8E;
	s24 =	sld [smem:$0x3FFE];
	[sflag:s23] =	ssyncadd.s32 $0xFFFFFFFF  }
0xa6: {  	s26 =	simm.s32 $execute0_lowered;
	[smem:$0x3FD2] =	sst s25  }
0xa7: {  	s6 =	sshll.u32 s26, $0x1;
	_ =	strace $0x80000046;
	[dreg:$0x1] =	wrdreg $0xFFFFFFFF  }
0xa8: {  	s28 =	simm.s32 $_size_execute0_lowered;
	s4 =	sadd.s32 s4, s6;
	[dreg:$0x0] =	wrdreg $0x0  }
0xa9: {  	s6 =	sshll.u32 s28, $0x1;
	[dreg:$0x2] =	wrdreg s4  }
0xaa: {  	[dreg:$0x3] =	wrdreg s6  }
0xab: {  	[dreg:$0x4] =	wrdreg $0xC0  }
0xac: {  	_ =	task [dreg:s8], $0x5FFFF  }
0xad: {  	[dreg:$0x1] =	wrdreg $0xFFFFFFFF  }
0xae: {  	[dreg:$0x0] =	wrdreg $0x60  }
0xaf: {  	[dreg:$0x2] =	wrdreg s2  }
0xb0: {  	[dreg:$0x3] =	wrdreg s18  }
0xb1: {  	[dreg:$0x4] =	wrdreg s24  }
0xb2: {  	[dreg:$0x5] =	wrdreg $0x0  }
0xb3: {  	[dreg:$0x6] =	wrdreg $0x108400  }
0xb4: {  	[dreg:$0x7] =	wrdreg $0x9  }
0xb5: {  	_ =	task.clear_ibuf [dreg:s8], $0x8FFFF;
	_ =	strace $0x90000046  }
0xb6: {  	s29 =	simm.s32 $0x9;
	_ =	strace $0x80000048  }
0xb7: {  	_ =	swait.ge [sflag:s29], $0x1  }
0xb8: {  	[sflag:s29] =	ssyncadd.s32 $0xFFFFFFFF  }
0xb9: {  	_ =	strace $0x90000048  }
0xba: {  	_ =	sfence  }
0xbb: {  	s30 =	sld [smem:$0x0];
	_ =	sdelay $0x2  }
0xbc: {  	s31 =	sshll.u32 s1, $0xD;
	s1 =	sshrl.u32 s1, $0x2  }
0xbd: {  	s3 =	sand.u32 $0x4000, s31;
	s1 =	sadd.s32 s1, s30  }
0xbe: {  	s0 =	sor.u32 s3, s0;
	s1 =	sshll.u32 s1, $0x11  }
0xbf: {  	s0 =	sor.u32 s1, s0  }
0xc0: {  	s0 =	sadd.s32 $0x8F2B, s0  }
0xc1: {  	[sflag:s0] =	ssyncadd.remote.s32 $0x1  }
0xc2: {  	_ =	sfence.sel $0xFFFF  }
0xc3: {  	[dreg:$0x0] =	wrdreg $0xFFFFFFFF;
	(pc) =	sbr.abs _section_cstart, $3  }
0xc4: {  	[dreg:$0x1] =	wrdreg $0xFFFFFFFF  }
0xc5: {  	_ =	task.clear_ibuf [dreg:s8], $0x2FFFF;
	_ =	strace $0x9FFFFFFF  }
0xc6: {  	(tm) =	ssettm $0x7FFFFFFF  }
0xc7: {  	_ =	shalt  }
tec
execute0_lowered:
.L_overlay_start_1:
0x0: {  	(tag) =	ssettag $0x1  }
0x1: {  	s1 =	rddreg [dreg:$0x0]  }
0x2: {  	s2 =	rddreg [dreg:$0x1]  }
0x3: {  	s0 =	rddreg [dreg:$0x2]  }
0x4: {  	s3 =	rddreg [dreg:$0x3]  }
0x5: {  	s4 =	rddreg [dreg:$0x4]  }
0x6: {  	s6 =	simm.s32 $0x0;
	s5 =	srdreg.scid;
	s12 =	stileid.u32  }
0x7: {  	[smem:$0x7FF] =	sst s6;
	s5 =	sand.u32 $0x1, s5;
	s11 =	smul.u32 $0x42000, s12  }
0x8: {  	s7 =	sadd.s32 $0xA00, s0;
	s8 =	sadd.s32 $0x13000, s0;
	s16 =	smul.u32 $0x3100, s12  }
0x9: {  	_ =	strace $0x80000047;
	s10 =	ssub.s32 $0x2, s5;
	s5 =	smul.u32 $0x3, s5  }
0xa: {  	s14 =	sshrl.u32 s10, $0x1;
	s15 =	sshrl.u32 s11, $0x2;
	[dreg:$0x7] =	wrdreg s16  }
0xb: {  	s0 =	ssub.s32 s10, s14;
	[dreg:$0x6] =	wrdreg s5;
	s5 =	sadd.s32 s15, s3  }
0xc: {  	s29 =	simm.s32 $0x10A58;
	s0 =	smax.u32 s0, $0x1;
	[dreg:$0x8] =	wrdreg s5  }
0xd: {  	s30 =	simm.s32 $0x116D8;
	s17 =	sadd.s32 $0x1800, s5;
	[dreg:$0x9] =	wrdreg s0  }
0xe: {  	s31 =	simm.s32 $0x154D8;
	s18 =	sadd.s32 $0x3000, s5;
	[dreg:$0xa] =	wrdreg s17  }
0xf: {  	s28 =	simm.s32 $0x18658;
	s19 =	sadd.s32 $0x4800, s5;
	[dreg:$0xb] =	wrdreg s18  }
0x10: {  	s9 =	smul.u32 $0x210, s12;
	s20 =	sadd.s32 $0x6000, s5;
	[dreg:$0xc] =	wrdreg s19  }
0x11: {  	s12 =	simm.s32 $0x186D8;
	s21 =	sadd.s32 $0x7800, s5;
	[dreg:$0xd] =	wrdreg s20  }
0x12: {  	s11 =	sadd.s32 s9, s4;
	s22 =	sadd.s32 $0x9000, s5;
	[dreg:$0xe] =	wrdreg s21  }
0x13: {  	s16 =	simm.s32 $0x1A7D8;
	s23 =	sadd.s32 $0xA800, s5;
	[dreg:$0xf] =	wrdreg s22  }
0x14: {  	s14 =	simm.s32 $0x40;
	s24 =	sadd.s32 $0xC000, s5;
	[dreg:$0x10] =	wrdreg s23  }
0x15: {  	s10 =	simm.s32 $0x18758;
	s25 =	sadd.s32 $0xD800, s5;
	[dreg:$0x11] =	wrdreg s24  }
0x16: {  	s15 =	simm.s32 $0x1A758;
	s26 =	sadd.s32 $0xF000, s5;
	[dreg:$0x12] =	wrdreg s25  }
0x17: {  	v0 =	vimm.f32 $0.0e+00;
	s5 =	simm.s32 $0x1;
	[dreg:$0x13] =	wrdreg s26;
	s25 =	simm.s32 $0x1BFD8  }
0x18: {  	v1 =	vimm.f32 $1.000000000e+00;
	v2 =	vimm.s32 $0x0;
	v3 =	vimm.s32 $0x2100;
	s26 =	simm.s32 $0x2;
	s0 =	simm.s32 $0x12358;
	s17 =	simm.s32 $0x0  }
.LBB2_1:
0x19: {  	[dreg:$0x14] =	wrdreg s17;
	s13 =	simm.s32 $0x0;
	s17 =	simm.s32 $0x200  }
.LBB2_2:
0x1a: {  	p0 =	sne.s32 s17, $0x5E00;
	[tilespmem:s13+$0x1C048] =	vst v0  }
0x1b: {  	[tilespmem:s13+$0x1BFD8] =	vst v0  }
0x1c: {  	[tilespmem:s13+$0x1BFE8] =	vst v0  }
.Ltmp0:
0x1d: {  	[tilespmem:s13+$0x1BFF8] =	vst v0;
	(pc) =	sbr.rel @p0 .LBB2_2-.Ltmp0, $4  }
0x1e: {  	[tilespmem:s13+$0x1C008] =	vst v0  }
0x1f: {  	[tilespmem:s13+$0x1C018] =	vst v0  }
0x20: {  	[tilespmem:s13+$0x1C028] =	vst v0  }
0x21: {  	[tilespmem:s13+$0x1C038] =	vst v0;
	s13 =	sshra.s32 s17, $0x2;
	s17 =	sadd.s32 $0x200, s17  }
0x22: {  	[tilespmem:s13+$0x1C048] =	vst v0  }
0x23: {  	[tilespmem:s13+$0x1BFD8] =	vst v0  }
0x24: {  	[tilespmem:s13+$0x1BFE8] =	vst v0  }
0x25: {  	[tilespmem:s13+$0x1BFF8] =	vst v0  }
0x26: {  	[tilespmem:s13+$0x1C008] =	vst v0  }
0x27: {  	[tilespmem:s13+$0x1C018] =	vst v0  }
0x28: {  	[tilespmem:s13+$0x1C028] =	vst v0  }
0x29: {  	[tilespmem:s13+$0x1C038] =	vst v0  }
0x2a: {  	[tilespmem:$0x1D7D8] =	vst v0  }
0x2b: {  	[tilespmem:$0x1D7E8] =	vst v0  }
0x2c: {  	[tilespmem:$0x1D7F8] =	vst v0  }
0x2d: {  	[tilespmem:$0x1D808] =	vst v0  }
0x2e: {  	[tilespmem:$0x1D818] =	vst v0  }
0x2f: {  	[tilespmem:$0x1D828] =	vst v0  }
0x30: {  	[tilespmem:$0x1D838] =	vst v0  }
0x31: {  	[tilespmem:$0x1D848] =	vst v0  }
0x32: {  	[tilespmem:$0x1D858] =	vst v0  }
0x33: {  	[tilespmem:$0x1D868] =	vst v0  }
0x34: {  	[tilespmem:$0x1D878] =	vst v0  }
0x35: {  	[tilespmem:$0x1D888] =	vst v0  }
0x36: {  	[tilespmem:$0x1D898] =	vst v0  }
0x37: {  	[tilespmem:$0x1D8A8] =	vst v0  }
0x38: {  	[tilespmem:$0x1D8B8] =	vst v0  }
0x39: {  	[tilespmem:$0x1D8C8] =	vst v0  }
0x3a: {  	[tilespmem:$0x1D8D8] =	vst v0  }
0x3b: {  	[tilespmem:$0x1D8E8] =	vst v0  }
0x3c: {  	[tilespmem:$0x1D8F8] =	vst v0  }
0x3d: {  	[tilespmem:$0x1D908] =	vst v0  }
0x3e: {  	[tilespmem:$0x1D918] =	vst v0  }
0x3f: {  	[tilespmem:$0x1D928] =	vst v0  }
0x40: {  	[tilespmem:$0x1D938] =	vst v0  }
0x41: {  	[tilespmem:$0x1D948] =	vst v0  }
0x42: {  	[tilespmem:$0x1D958] =	vst v0  }
0x43: {  	[tilespmem:$0x1D968] =	vst v0  }
0x44: {  	[tilespmem:$0x1D978] =	vst v0  }
0x45: {  	[tilespmem:$0x1D988] =	vst v0  }
0x46: {  	[tilespmem:$0x1D998] =	vst v0  }
0x47: {  	[tilespmem:$0x1D9A8] =	vst v0  }
0x48: {  	[tilespmem:$0x1D9B8] =	vst v0  }
0x49: {  	[tilespmem:$0x1D9C8] =	vst v0  }
0x4a: {  	[tilespmem:$0x1D9D8] =	vst v0  }
0x4b: {  	[tilespmem:$0x1A758] =	vst v1  }
0x4c: {  	[tilespmem:$0x1A768] =	vst v1  }
0x4d: {  	[tilespmem:$0x1A778] =	vst v1  }
0x4e: {  	s17 =	simm.s32 $0x0;
	[tilespmem:$0x1A788] =	vst v1  }
.LBB2_4:
0x4f: {  	s13 =	rddreg [dreg:$0x8]  }
0x50: {  	[spmem:s13] =	stream.linear.scatter [tilespmem:s25], [sflag:$0x2], $0x1800, $0x38;
	[tilespmem:$0x1DCD8] =	vst v63  }
0x51: {  	_ =	swait.ge [sflag:s26], $0x1800  }
0x52: {  	[sflag:s26] =	ssyncset.done $0x0  }
0x53: {  	s20 =	rddreg [dreg:$0xa];
	[sflag:s26] =	ssyncadd.s32 $0xFFFFE800  }
0x54: {  	[spmem:s20] =	stream.linear.scatter [tilespmem:s25], [sflag:$0x2], $0x1800, $0x38;
	[tilespmem:$0x1DCD8] =	vst v63  }
0x55: {  	_ =	swait.ge [sflag:s26], $0x1800  }
0x56: {  	[sflag:s26] =	ssyncset.done $0x0  }
0x57: {  	s21 =	rddreg [dreg:$0xb];
	[sflag:s26] =	ssyncadd.s32 $0xFFFFE800  }
0x58: {  	[spmem:s21] =	stream.linear.scatter [tilespmem:s25], [sflag:$0x2], $0x1800, $0x38;
	[tilespmem:$0x1DCD8] =	vst v63  }
0x59: {  	_ =	swait.ge [sflag:s26], $0x1800  }
0x5a: {  	[sflag:s26] =	ssyncset.done $0x0  }
0x5b: {  	s22 =	rddreg [dreg:$0xc];
	[sflag:s26] =	ssyncadd.s32 $0xFFFFE800  }
0x5c: {  	[spmem:s22] =	stream.linear.scatter [tilespmem:s25], [sflag:$0x2], $0x1800, $0x38;
	[tilespmem:$0x1DCD8] =	vst v63  }
0x5d: {  	_ =	swait.ge [sflag:s26], $0x1800  }
0x5e: {  	[sflag:s26] =	ssyncset.done $0x0  }
0x5f: {  	s23 =	rddreg [dreg:$0xd];
	[sflag:s26] =	ssyncadd.s32 $0xFFFFE800  }
0x60: {  	[spmem:s23] =	stream.linear.scatter [tilespmem:s25], [sflag:$0x2], $0x1800, $0x38;
	[tilespmem:$0x1DCD8] =	vst v63  }
0x61: {  	_ =	swait.ge [sflag:s26], $0x1800  }
0x62: {  	[sflag:s26] =	ssyncset.done $0x0  }
0x63: {  	s24 =	rddreg [dreg:$0xe];
	[sflag:s26] =	ssyncadd.s32 $0xFFFFE800  }
0x64: {  	[spmem:s24] =	stream.linear.scatter [tilespmem:s25], [sflag:$0x2], $0x1800, $0x38;
	[tilespmem:$0x1DCD8] =	vst v63  }
0x65: {  	_ =	swait.ge [sflag:s26], $0x1800  }
0x66: {  	[sflag:s26] =	ssyncset.done $0x0  }
0x67: {  	s18 =	rddreg [dreg:$0xf];
	[sflag:s26] =	ssyncadd.s32 $0xFFFFE800  }
0x68: {  	[spmem:s18] =	stream.linear.scatter [tilespmem:s25], [sflag:$0x2], $0x1800, $0x38;
	[tilespmem:$0x1DCD8] =	vst v63  }
0x69: {  	_ =	swait.ge [sflag:s26], $0x1800  }
0x6a: {  	[sflag:s26] =	ssyncset.done $0x0  }
0x6b: {  	s19 =	rddreg [dreg:$0x10];
	[sflag:s26] =	ssyncadd.s32 $0xFFFFE800  }
0x6c: {  	[spmem:s19] =	stream.linear.scatter [tilespmem:s25], [sflag:$0x2], $0x1800, $0x38;
	[tilespmem:$0x1DCD8] =	vst v63  }
0x6d: {  	_ =	swait.ge [sflag:s26], $0x1800  }
0x6e: {  	[sflag:s26] =	ssyncset.done $0x0  }
0x6f: {  	s20 =	rddreg [dreg:$0x11];
	[sflag:s26] =	ssyncadd.s32 $0xFFFFE800  }
0x70: {  	[spmem:s20] =	stream.linear.scatter [tilespmem:s25], [sflag:$0x2], $0x1800, $0x38;
	[tilespmem:$0x1DCD8] =	vst v63  }
0x71: {  	_ =	swait.ge [sflag:s26], $0x1800  }
0x72: {  	[sflag:s26] =	ssyncset.done $0x0  }
0x73: {  	s21 =	rddreg [dreg:$0x12];
	[sflag:s26] =	ssyncadd.s32 $0xFFFFE800  }
0x74: {  	[spmem:s21] =	stream.linear.scatter [tilespmem:s25], [sflag:$0x2], $0x1800, $0x38;
	[tilespmem:$0x1DCD8] =	vst v63  }
0x75: {  	_ =	swait.ge [sflag:s26], $0x1800  }
0x76: {  	[sflag:s26] =	ssyncset.done $0x0  }
0x77: {  	s22 =	smul.u32 $0xAB, s17;
	s18 =	rddreg [dreg:$0x13];
	[sflag:s26] =	ssyncadd.s32 $0xFFFFE800  }
0x78: {  	[spmem:s18] =	stream.linear.scatter [tilespmem:s25], [sflag:$0x2], $0x1800, $0x38;
	[tilespmem:$0x1DCD8] =	vst v63  }
0x79: {  	s13 =	sshrl.u32 s22, $0x9;
	_ =	swait.ge [sflag:s26], $0x1800  }
0x7a: {  	s18 =	sand.u32 $0x7F, s13;
	[sflag:s26] =	ssyncset.done $0x0  }
0x7b: {  	s19 =	simm.s32 $0x1D7D8;
	s13 =	smul.u32 $0x3, s18;
	[sflag:s26] =	ssyncadd.s32 $0xFFFFE800  }
0x7c: {  	[spmem:s11] =	stream.linear.scatter [tilespmem:s19], [sflag:$0x2], $0x210, $0x38;
	[tilespmem:$0x1DCD8] =	vst v63  }
0x7d: {  	s23 =	rddreg [dreg:$0x6];
	s13 =	ssub.s32 s17, s13;
	_ =	swait.ge [sflag:s26], $0x210  }
0x7e: {  	s13 =	sand.u32 $0xFF, s13;
	[sflag:s26] =	ssyncset.done $0x0  }
0x7f: {  	s24 =	smul.u32 $0x31000, s18;
	s13 =	sadd.s32 s13, s23;
	[sflag:s26] =	ssyncadd.s32 $0xFFFFFDF0  }
0x80: {  	s13 =	smul.u32 $0x2100, s13;
	[bflag:$0x0] =	sbarrier.arrive $0xFFFF  }
0x81: {  	s20 =	rddreg [dreg:$0x7]  }
0x82: {  	s21 =	simm.s32 $0x0;
	s19 =	simm.s32 $0x0;
	v4 =	vmov s13;
	s20 =	sadd.s32 s20, s24  }
.LBB2_5:
0x83: {  	s22 =	smul.u32 $0xC40, s21;
	_ =	sdelay $0x1  }
0x84: {  	s22 =	sadd.s32 s22, s20  }
0x85: {  	s22 =	sshrl.u32 s22, $0x3  }
0x86: {  	s24 =	simm.s32 $0x0;
	s23 =	sadd.s32 s7, s22  }
0x87: {  	[tilespmem:s29], [sflag:$0x2] =	stream.linear.gather [hbm4b:s23+s24], $0xC40, $0x38;
	[tilespmem:$0x1DCD8] =	vst v63  }
0x88: {  	_ =	swait.ge [sflag:s26], $0xC40  }
0x89: {  	[sflag:s26] =	ssyncset.done $0x0  }
0x8a: {  	s22 =	sadd.s32 s2, s22;
	[sflag:s26] =	ssyncadd.s32 $0xFFFFF3C0  }
0x8b: {  	[tilespmem:s30], [sflag:$0x2] =	stream.linear.gather [hbm4b:s22+s24], $0xC40, $0x38;
	[tilespmem:$0x1DCD8] =	vst v63  }
0x8c: {  	_ =	swait.ge [sflag:s26], $0xC40  }
0x8d: {  	[sflag:s26] =	ssyncset.done $0x0  }
0x8e: {  	s24 =	simm.s32 $0x0;
	[sflag:s26] =	ssyncadd.s32 $0xFFFFF3C0  }
0x8f: {  	v5 =	vld [tilespmem:s24+$0x10A58];
	_ =	sdelay $0x4  }
0x90: {  	v5 =	vsub.s32 v5, v4  }
0x91: {  	vm0 =	vlt.u32 v5, $0x2100  }
0x92: {  	v6 =	vmpcnt.ones.xlane vm0  }
0x93: {  	v7 =	vsel vm0, $0x1, v2  }
0x94: {  	(xrf0) =	vadd.scan.msk.s32 $0xffff, v7;
	(v2sf) =	vpush v6, $0x0;
	_ =	sdelay $0x2  }
0x95: {  	v6 =	vmov s19  }
0x96: {  	v6 =	vadd.s32 $0xFFFFFFFF, v6  }
0x97: {  	v6 =	vbroadcast v6, $0x0  }
0x98: {  	v7, _, _ =	vpop (xrf0)  }
0x99: {  	v6 =	vadd.s32 v6, v7  }
0x9a: {  	v6 =	vnsel vm0, $0x3140, v6  }
0x9b: {  	v7 =	vld [tilespmem:s24+$0x116D8];
	_ =	sdelay $0x3  }
0x9c: {  	[tilespmem:v6+s31+$0x0] =	vst.idx.msk $0xffff, v5  }
0x9d: {  	s22 =	simm.s32 $0x10;
	[tilespmem:v6+s0+$0x0] =	vst.idx.msk $0xffff, v7  }
0x9e: {  	s23 =	simm.s32 $0x80;
	v5 =	vld [tilespmem:s22+$0x10A58];
	s24 =	spop (v2sf)  }
.LBB2_6:
0x9f: {  	p0 =	sne.s32 s23, $0x30C0  }
0xa0: {  	s19 =	sadd.s32 s19, s24;
	s24 =	smov.u32 s23;
	s23 =	sadd.s32 $0x40, s23  }
0xa1: {  	v6 =	vmov s19  }
0xa2: {  	v6 =	vadd.s32 $0xFFFFFFFF, v6  }
0xa3: {  	v5 =	vsub.s32 v5, v4  }
0xa4: {  	vm0 =	vlt.u32 v5, $0x2100  }
0xa5: {  	v7 =	vsel vm0, $0x1, v2;
	v8 =	vmpcnt.ones.xlane vm0  }
0xa6: {  	(xrf0) =	vadd.scan.msk.s32 $0xffff, v7  }
0xa7: {  	(v2sf) =	vpush v8, $0x0;
	_ =	sdelay $0x3  }
0xa8: {  	v6 =	vbroadcast v6, $0x0  }
0xa9: {  	v7, _, _ =	vpop (xrf0)  }
0xaa: {  	v6 =	vadd.s32 v6, v7  }
0xab: {  	v6 =	vnsel vm0, $0x3140, v6  }
0xac: {  	v7 =	vld [tilespmem:s22+$0x116D8];
	_ =	sdelay $0x2  }
.Ltmp1:
0xad: {  	(pc) =	sbr.rel @p0 .LBB2_6-.Ltmp1, $4  }
0xae: {  	[tilespmem:v6+s31+$0x0] =	vst.idx.msk $0xffff, v5  }
0xaf: {  	s22 =	sshra.s32 s24, $0x2;
	[tilespmem:v6+s0+$0x0] =	vst.idx.msk $0xffff, v7  }
0xb0: {  	v5 =	vld [tilespmem:s22+$0x10A58]  }
0xb1: {  	s24 =	spop (v2sf)  }
0xb2: {  	_ =	sdelay $0x2  }
0xb3: {  	v5 =	vsub.s32 v5, v4  }
0xb4: {  	vm0 =	vlt.u32 v5, $0x2100  }
0xb5: {  	v6 =	vmpcnt.ones.xlane vm0;
	_ =	sdelay $0x1  }
0xb6: {  	(v2sf) =	vpush v6, $0x0  }
0xb7: {  	v6 =	vsel vm0, $0x1, v2  }
0xb8: {  	(xrf0) =	vadd.scan.msk.s32 $0xffff, v6;
	_ =	sdelay $0x1  }
0xb9: {  	s19 =	sadd.s32 s19, s24  }
0xba: {  	v6 =	vmov s19  }
0xbb: {  	v6 =	vadd.s32 $0xFFFFFFFF, v6  }
0xbc: {  	v6 =	vbroadcast v6, $0x0  }
0xbd: {  	v7, _, _ =	vpop (xrf0)  }
0xbe: {  	v6 =	vadd.s32 v6, v7  }
0xbf: {  	s21 =	sadd.s32 $0x1, s21;
	v6 =	vnsel vm0, $0x3140, v6  }
0xc0: {  	p0 =	sne.s32 s21, $0x4;
	v7 =	vld [tilespmem:s22+$0x116D8]  }
.Ltmp2:
0xc1: {  	_ = 	snop;
	(pc) =	sbr.rel @p0 .LBB2_5-.Ltmp2, $3  }
0xc2: {  	_ =	sdelay $0x1  }
0xc3: {  	[tilespmem:v6+s31+$0x0] =	vst.idx.msk $0xffff, v5;
	s24 =	spop (v2sf)  }
0xc4: {  	[tilespmem:v6+s0+$0x0] =	vst.idx.msk $0xffff, v7;
	s19 =	sadd.s32 s19, s24  }
0xc5: {  	s20 =	sadd.s32 $0x3F, s19  }
0xc6: {  	s21 =	sand.u32 $0x3F, s20  }
0xc7: {  	s24 =	sshra.s32 s20, $0x1F;
	p1 =	slt.s32 s20, $0x1;
	p0 =	sne.s32 s21, $0x0  }
0xc8: {  	s21 =	sshrl.u32 s24, $0x1A;
	p0 =	por !p1, !p0  }
0xc9: {  	s20 =	sadd.s32 s21, s20;
	s21 =	simm.s32 $0x1;
	p0 =	por !p0, !p0  }
0xca: {  	[tilespmem:s19+$0x154D8] =	vst v3;
	s20 =	sshra.s32 s20, $0x6;
	s21 =	simm.s32 @!p0 $0x0  }
0xcb: {  	[tilespmem:s19+$0x12358] =	vst v2;
	s21 =	ssub.s32 s20, s21  }
0xcc: {  	[tilespmem:s19+$0x154E8] =	vst v3;
	p0 =	slt.s32 s21, $0x1  }
.Ltmp3:
0xcd: {  	[tilespmem:s19+$0x12368] =	vst v2;
	(pc) =	sbr.rel @p0 .LBB2_12-.Ltmp3, $4  }
0xce: {  	[tilespmem:s19+$0x154F8] =	vst v3  }
0xcf: {  	[tilespmem:s19+$0x12378] =	vst v2  }
0xd0: {  	[tilespmem:s19+$0x15508] =	vst v3  }
0xd1: {  	[tilespmem:s19+$0x12388] =	vst v2  }
0xd2: {  	s19 =	simm.s32 $0x12378  }
0xd3: {  	v4 =	vld [tilespmem:s19+$0xFFFFFFE0];
	_ =	sdelay $0x4  }
0xd4: {  	s20 =	simm.s32 $0x154F8;
	[tilespmem:$0x18658] =	vst v4  }
0xd5: {  	v4 =	vld [tilespmem:s20+$0xFFFFFFE0];
	_ =	sdelay $0x4  }
0xd6: {  	[tilespmem:$0x186D8] =	vst v4  }
0xd7: {  	v4 =	vld [tilespmem:s19+$0xFFFFFFF0];
	_ =	sdelay $0x4  }
0xd8: {  	[tilespmem:$0x18668] =	vst v4  }
0xd9: {  	v4 =	vld [tilespmem:s20+$0xFFFFFFF0];
	_ =	sdelay $0x4  }
0xda: {  	[tilespmem:$0x186E8] =	vst v4  }
0xdb: {  	v4 =	vld [tilespmem:s19+$0x0];
	_ =	sdelay $0x4  }
0xdc: {  	[tilespmem:$0x18678] =	vst v4  }
0xdd: {  	v4 =	vld [tilespmem:s20+$0x0];
	_ =	sdelay $0x4  }
0xde: {  	[tilespmem:$0x186F8] =	vst v4  }
0xdf: {  	v4 =	vld [tilespmem:s19+$0x10];
	_ =	sdelay $0x4  }
0xe0: {  	[tilespmem:$0x18688] =	vst v4  }
0xe1: {  	v4 =	vld [tilespmem:s20+$0x10];
	_ =	sdelay $0x4  }
0xe2: {  	[tilespmem:$0x18708] =	vst v4  }
0xe3: {  	[tilespmem:s10], [sflag:$0x1] =	stream.indirect.gather [hbm4b:s1+s14], $0x80, s28, s14, $0xb8;
	[tilespmem:$0x1DCD8] =	vst v63  }
0xe4: {  	_ =	swait.ge [sflag:s5], $0x2000  }
0xe5: {  	[sflag:s5] =	ssyncset.done $0x0  }
0xe6: {  	[sflag:s5] =	ssyncadd.s32 $0xFFFFE000  }
0xe7: {  	[spmem:s3] =	stream.indirect.scatter.add.f32 [tilespmem:s10], [sflag:$0x2], $0x80, s12, s14, $0xb8;
	[tilespmem:$0x1DCD8] =	vst v63  }
0xe8: {  	p0 =	sne.s32 s21, $0x1;
	_ =	swait.ge [sflag:s26], $0x2000  }
.Ltmp4:
0xe9: {  	[sflag:s26] =	ssyncset.done $0x0;
	(pc) =	sbr.rel @!p0 .LBB2_11-.Ltmp4, $4  }
0xea: {  	[sflag:s26] =	ssyncadd.s32 $0xFFFFE000  }
0xeb: {  	[spmem:s4] =	stream.indirect.scatter.add.f32 [tilespmem:s15], [sflag:$0x2], $0x1, s12, s14, $0xb8;
	[tilespmem:$0x1DCD8] =	vst v63  }
0xec: {  	_ =	swait.ge [sflag:s26], $0x40  }
0xed: {  	s21 =	sadd.s32 $0xFFFFFFFF, s21;
	[sflag:s26] =	ssyncset.done $0x0  }
.LBB2_10:
0xee: {  	[sflag:s26] =	ssyncadd.s32 $0xFFFFFFC0;
	s20 =	sadd.s32 $0x40, s20;
	s19 =	sadd.s32 $0x40, s19  }
0xef: {  	p0 =	sne.s32 s21, $0x1;
	s21 =	sadd.s32 $0xFFFFFFFF, s21;
	v4 =	vld [tilespmem:s19+$0xFFFFFFE0];
	_ =	sdelay $0x4  }
0xf0: {  	[tilespmem:$0x18658] =	vst v4  }
0xf1: {  	v4 =	vld [tilespmem:s20+$0xFFFFFFE0];
	_ =	sdelay $0x4  }
0xf2: {  	[tilespmem:$0x186D8] =	vst v4  }
0xf3: {  	v4 =	vld [tilespmem:s19+$0xFFFFFFF0];
	_ =	sdelay $0x4  }
0xf4: {  	[tilespmem:$0x18668] =	vst v4  }
0xf5: {  	v4 =	vld [tilespmem:s20+$0xFFFFFFF0];
	_ =	sdelay $0x4  }
0xf6: {  	[tilespmem:$0x186E8] =	vst v4  }
0xf7: {  	v4 =	vld [tilespmem:s19+$0x0];
	_ =	sdelay $0x4  }
0xf8: {  	[tilespmem:$0x18678] =	vst v4  }
0xf9: {  	v4 =	vld [tilespmem:s20+$0x0];
	_ =	sdelay $0x4  }
0xfa: {  	[tilespmem:$0x186F8] =	vst v4  }
0xfb: {  	v4 =	vld [tilespmem:s19+$0x10];
	_ =	sdelay $0x4  }
0xfc: {  	[tilespmem:$0x18688] =	vst v4  }
0xfd: {  	v4 =	vld [tilespmem:s20+$0x10];
	_ =	sdelay $0x4  }
0xfe: {  	[tilespmem:$0x18708] =	vst v4  }
0xff: {  	[tilespmem:s10], [sflag:$0x1] =	stream.indirect.gather [hbm4b:s1+s14], $0x80, s28, s14, $0xb8;
	[tilespmem:$0x1DCD8] =	vst v63  }
0x100: {  	_ =	swait.ge [sflag:s5], $0x2000  }
0x101: {  	[sflag:s5] =	ssyncset.done $0x0  }
0x102: {  	[sflag:s5] =	ssyncadd.s32 $0xFFFFE000  }
0x103: {  	[spmem:s3] =	stream.indirect.scatter.add.f32 [tilespmem:s10], [sflag:$0x2], $0x80, s12, s14, $0xb8;
	[tilespmem:$0x1DCD8] =	vst v63  }
0x104: {  	_ =	swait.ge [sflag:s26], $0x2000  }
.Ltmp5:
0x105: {  	[sflag:s26] =	ssyncset.done $0x0;
	(pc) =	sbr.rel @p0 .LBB2_10-.Ltmp5, $4  }
0x106: {  	[sflag:s26] =	ssyncadd.s32 $0xFFFFE000  }
0x107: {  	[spmem:s4] =	stream.indirect.scatter.add.f32 [tilespmem:s15], [sflag:$0x2], $0x1, s12, s14, $0xb8;
	[tilespmem:$0x1DCD8] =	vst v63  }
0x108: {  	_ =	swait.ge [sflag:s26], $0x40  }
0x109: {  	[sflag:s26] =	ssyncset.done $0x0  }
.LBB2_11:
0x10a: {  	[sflag:s26] =	ssyncadd.s32 $0xFFFFFFC0  }
.LBB2_12:
0x10b: {  	[bflag:$0x0] =	sbarrier.arrive $0xFFFF;
	s19 =	simm.s32 $0x1DA58  }
0x10c: {  	[tilespmem:s19], [sflag:$0x2] =	stream.linear.gather [spmem:s11], $0x210, $0x38;
	[tilespmem:$0x1DCD8] =	vst v63  }
0x10d: {  	_ =	swait.ge [sflag:s26], $0x210  }
0x10e: {  	[sflag:s26] =	ssyncset.done $0x0  }
0x10f: {  	s20 =	simm.s32 $0x40;
	s19 =	simm.s32 $0x0;
	[sflag:s26] =	ssyncadd.s32 $0xFFFFFDF0  }
.LBB2_13:
0x110: {  	p0 =	sne.s32 s20, $0x800;
	v4 =	vld [tilespmem:s19+$0x1DA58];
	_ =	sdelay $0x4  }
0x111: {  	v4 =	vmax.f32 v4, $1.000000000e+00  }
0x112: {  	(erf) = vrcp.f32 v4;
	_ =	sdelay $0x5  }
.Ltmp6:
0x113: {  	(pc) =	sbr.rel @p0 .LBB2_13-.Ltmp6, $3  }
0x114: {  	_ =	sdelay $0x1  }
0x115: {  	v4 =	vpop (erf)  }
0x116: {  	[tilespmem:s19+$0x1DA58] =	vst v4;
	s19 =	sshra.s32 s20, $0x2;
	s20 =	sadd.s32 $0x40, s20  }
0x117: {  	v4 =	vld [tilespmem:s19+$0x1DA58];
	_ =	sdelay $0x4  }
0x118: {  	v4 =	vmax.f32 v4, $1.000000000e+00  }
0x119: {  	(erf) = vrcp.f32 v4;
	_ =	sdelay $0x6  }
0x11a: {  	s18 =	smul.u32 $0xC600, s18;
	_ =	sdelay $0x1  }
0x11b: {  	s18 =	sadd.s32 s9, s18;
	v4 =	vpop (erf)  }
0x11c: {  	s13 =	sadd.s32 s13, s18;
	s18 =	simm.s32 $0x0;
	[tilespmem:s19+$0x1DA58] =	vst v4;
	s19 =	simm.s32 $0x1DA58  }
.LBB2_15:
0x11d: {  	s20 =	smul.u32 $0x30, s18;
	_ =	sdelay $0x1  }
0x11e: {  	s21 =	sadd.s32 s9, s20  }
0x11f: {  	s21 =	sshll.u32 s21, $0x7  }
0x120: {  	s21 =	sand.u32 $0x3FFFFF80, s21  }
0x121: {  	s21 =	sadd.s32 s21, s3  }
0x122: {  	[tilespmem:s16], [sflag:$0x2] =	stream.linear.gather [spmem:s21], $0x1800, $0x38;
	[tilespmem:$0x1DCD8] =	vst v63  }
0x123: {  	_ =	swait.ge [sflag:s26], $0x1800  }
0x124: {  	[sflag:s26] =	ssyncset.done $0x0  }
0x125: {  	s21 =	simm.s32 $0x1A818;
	[sflag:s26] =	ssyncadd.s32 $0xFFFFE800  }
0x126: {  	v8 =	vld [tilespmem:s21+$0x30]  }
0x127: {  	v11 =	vld [tilespmem:s21+$0x10]  }
0x128: {  	s22 =	sadd.s32 $0x0, s19;
	v9 =	vld [tilespmem:s21+$0xFFFFFFC0]  }
0x129: {  	v5 =	vld.msk [tilespmem:s22+$0x0 ss:$0x0], $0xffff  }
0x12a: {  	v13 =	vld [tilespmem:s21+$0xFFFFFFE0]  }
0x12b: {  	v4 =	vld [tilespmem:s21+$0xFFFFFFF0]  }
0x12c: {  	v6 =	vld [tilespmem:s21+$0x20]  }
0x12d: {  	v7 =	vld [tilespmem:s21+$0xFFFFFFD0]  }
0x12e: {  	v12 =	vmul.f32 v8, v5;
	v8 =	vld [tilespmem:s21+$0x0]  }
0x12f: {  	v10 =	vmul.f32 v5, v9  }
0x130: {  	s23 =	simm.s32 $0x1A818;
	s22 =	simm.s32 $0x4;
	v9 =	vmul.f32 v13, v5;
	v11 =	vmul.f32 v11, v5  }
.LBB2_16:
0x131: {  	p0 =	sne.s32 s22, $0xBC  }
0x132: {  	v7 =	vmul.f32 v7, v5;
	v6 =	vmul.f32 v6, v5;
	[tilespmem:s21+$0x30] =	vst v12;
	s23 =	sadd.s32 $0x80, s23;
	s24 =	smov.u32 s22;
	s22 =	sadd.s32 $0x4, s22  }
0x133: {  	[tilespmem:s21+$0xFFFFFFC0] =	vst v10;
	v10 =	vmul.f32 v4, v5;
	v5 =	vmul.f32 v8, v5  }
0x134: {  	[tilespmem:s21+$0x10] =	vst v11  }
0x135: {  	[tilespmem:s21+$0xFFFFFFE0] =	vst v9  }
0x136: {  	v4 =	vld [tilespmem:s23+$0xFFFFFFF0];
	[tilespmem:s21+$0xFFFFFFF0] =	vst v10  }
0x137: {  	v9 =	vld [tilespmem:s23+$0x30];
	[tilespmem:s21+$0x0] =	vst v5  }
0x138: {  	s24 =	sshra.s32 s24, $0x2;
	v11 =	vld [tilespmem:s23+$0x10];
	[tilespmem:s21+$0x20] =	vst v6  }
0x139: {  	s24 =	sadd.s32 s24, s19;
	v10 =	vld [tilespmem:s23+$0xFFFFFFC0];
	[tilespmem:s21+$0xFFFFFFD0] =	vst v7;
	s21 =	smov.u32 s23  }
0x13a: {  	v5 =	vld.msk [tilespmem:s24+$0x0 ss:$0x0], $0xffff  }
0x13b: {  	v13 =	vld [tilespmem:s23+$0xFFFFFFE0]  }
0x13c: {  	v6 =	vld [tilespmem:s23+$0x20]  }
.Ltmp7:
0x13d: {  	v7 =	vld [tilespmem:s23+$0xFFFFFFD0];
	(pc) =	sbr.rel @p0 .LBB2_16-.Ltmp7, $3  }
0x13e: {  	v8 =	vld [tilespmem:s23+$0x0];
	_ =	sdelay $0x1  }
0x13f: {  	v10 =	vmul.f32 v5, v10;
	v12 =	vmul.f32 v9, v5  }
0x140: {  	v11 =	vmul.f32 v11, v5;
	v9 =	vmul.f32 v13, v5  }
0x141: {  	[tilespmem:s21+$0x30] =	vst v12  }
0x142: {  	[tilespmem:s21+$0xFFFFFFC0] =	vst v10  }
0x143: {  	v4 =	vmul.f32 v4, v5;
	[tilespmem:s21+$0x10] =	vst v11  }
0x144: {  	v6 =	vmul.f32 v6, v5;
	[tilespmem:s21+$0xFFFFFFE0] =	vst v9  }
0x145: {  	v8 =	vmul.f32 v8, v5;
	[tilespmem:s21+$0xFFFFFFF0] =	vst v4  }
0x146: {  	s20 =	sadd.s32 s20, s13;
	s18 =	sadd.s32 $0x1, s18;
	v4 =	vmul.f32 v7, v5;
	[tilespmem:s21+$0x20] =	vst v6  }
0x147: {  	s20 =	sshll.u32 s20, $0x4;
	p0 =	sne.s32 s18, $0xB;
	[tilespmem:s21+$0x0] =	vst v8  }
.Ltmp8:
0x148: {  	s20 =	sadd.s32 s8, s20;
	[tilespmem:s21+$0xFFFFFFD0] =	vst v4;
	(pc) =	sbr.rel @p0 .LBB2_15-.Ltmp8, $4  }
0x149: {  	[hbm4b:s20+s6] =	stream.linear.scatter [tilespmem:s16], [sflag:$0x2], $0x1800, $0x38;
	[tilespmem:$0x1DCD8] =	vst v63  }
0x14a: {  	_ =	swait.ge [sflag:s26], $0x1800  }
0x14b: {  	[sflag:s26] =	ssyncset.done $0x0  }
0x14c: {  	s19 =	sadd.s32 $0x30, s19;
	[sflag:s26] =	ssyncadd.s32 $0xFFFFE800  }
0x14d: {  	s17 =	sadd.s32 $0x1, s17  }
0x14e: {  	p0 =	sne.s32 s17, $0x9  }
.Ltmp9:
0x14f: {  	_ = 	snop;
	(pc) =	sbr.rel @p0 .LBB2_4-.Ltmp9, $2  }
0x150: {  	_ =	sdelay $0x1  }
0x151: {  	[bflag:$0x0] =	sbarrier.arrive $0xFFFF;
	_ =	sdelay $0x1  }
0x152: {  	s17 =	rddreg [dreg:$0x14]  }
0x153: {  	s13 =	rddreg [dreg:$0x9];
	s17 =	sadd.s32 $0x1, s17  }
0x154: {  	p0 =	sne.s32 s17, s13  }
.Ltmp10:
0x155: {  	_ = 	snop;
	(pc) =	sbr.rel @p0 .LBB2_1-.Ltmp10, $1  }
0x156: {  	_ =	sdelay $0x3  }
0x157: {  	_ =	sfence.sel $0x180000  }
0x158: {  	[bflag:$0x0] =	sbarrier.arrive $0xFFFF  }
0x159: {  	_ =	strace $0x90000047  }
0x15a: {  	s0 =	stileid.u32;
	[bflag:$0x2] =	sbarrier.arrive $0xFFFF  }
0x15b: {  	p0 =	sne.s32 s0, $0x0;
	s0 =	rddreg [dreg:$0x5]  }
0x15c: {  	s0 =	sadd.s32 @!p0 $0x100000, s0  }
0x15d: {  	[sflag:s0] =	ssyncadd.tile.s32 @!p0 $0x1;
	_ =	shalt  }
.Lfunc_end2:
_tile_overlayer_lowered:
.L_overlay_start_2:
0x15e: {  	(tag) =	ssettag $0x2  }
0x15f: {  	s0 =	rddreg [dreg:$0x0];
	s2 =	stileid.u32  }
0x160: {  	s1 =	rddreg [dreg:$0x1];
	p0 =	sne.s32 s2, $0x0  }
0x161: {  	s3 =	rddreg [dreg:$0x2];
	[bflag:$0x3] =	sbarrier.arrive $0xFFFF;
	s2 =	simm.s32 @!p0 $0x1C02  }
0x162: {  	[timem:s3], [sflag:s2] =	dma.local @!p0 [hbm:s0], s1  }
0x163: {  	s0 =	simm.s32 @!p0 $0x2  }
0x164: {  	_ =	swait.ge @!p0 [sflag:s0], s1  }
0x165: {  	s1 =	ssub.s32 @!p0 $0x0, s1;
	[sflag:s0] =	ssyncset.done @!p0 $0x0  }
0x166: {  	[sflag:s0] =	ssyncadd.s32 @!p0 s1  }
0x167: {  	[bflag:$0x3] =	sbarrier.arrive $0xFFFF  }
0x168: {  	_ =	shalt  }

</sc_bundles>
